<compile_context>
chip_gen: v7x
topology: tpu7x:2x2x1
jax: 0.10.2.dev20260603
libtpu: 0.0.44.dev20260713+nightly
codegen_flags: <defaults>
</compile_context>

<pallas_src>
import functools

import jax
import jax.numpy as jnp
from jax import lax
from jax.experimental import pallas as pl
from jax.experimental.pallas import tpu as pltpu
from jax.experimental.pallas import tpu_sc as plsc

_VOCAB = 1000000
_EMB = 64
_BATCH = 16384
_HIST = 50

_NC = 2
_NS = 16
_NW = _NC * _NS

_PER_W = _BATCH // _NW
_R = 8


def _emb_body(idx_hbm, table_hbm, out_hbm, idx_v, rows_v, gsems, ssems):
  wid = lax.axis_index("s") * _NC + lax.axis_index("c")
  base = wid * _PER_W

  pltpu.sync_copy(idx_hbm.at[wid], idx_v)

  def gather_start(m, b):
    pltpu.async_copy(table_hbm.at[idx_v.at[m]], rows_v.at[b], gsems[b])

  def gather_wait(b):
    pltpu.make_async_copy(
        table_hbm.at[pl.ds(0, _HIST)], rows_v.at[b], gsems[b]).wait()

  def store_start(m, b):
    pltpu.async_copy(rows_v.at[b], out_hbm.at[base + m], ssems[b])

  def store_wait(m, b):
    pltpu.make_async_copy(
        rows_v.at[b], out_hbm.at[base + m], ssems[b]).wait()

  for j in range(_R - 1):
    gather_start(j, j)

  @pl.loop(0, _PER_W // _R)
  def _steps(i):
    for j in range(_R):
      m = _R * i + j
      b = j
      bp = (j - 1) % _R

      @pl.when(m >= 1)
      def _():
        store_wait(m - 1, bp)

      @pl.when(m + _R - 1 < _PER_W)
      def _():
        gather_start(m + _R - 1, bp)

      gather_wait(b)
      store_start(m, b)

  store_wait(_PER_W - 1, (_PER_W - 1) % _R)


@jax.jit
def _emb(idx, table):
  mesh = plsc.VectorSubcoreMesh(
      core_axis_name="c", subcore_axis_name="s",
      num_cores=_NC, num_subcores=_NS)
  f = functools.partial(
      pl.kernel,
      mesh=mesh,
      out_type=jax.ShapeDtypeStruct((_BATCH, _HIST, _EMB), jnp.float32),
      scratch_types=[
          pltpu.VMEM((_PER_W, _HIST), jnp.int32),
          pltpu.VMEM((_R, _HIST, _EMB), jnp.float32),
          [pltpu.SemaphoreType.DMA] * _R,
          [pltpu.SemaphoreType.DMA] * _R,
      ],
      compiler_params=pltpu.CompilerParams(use_tc_tiling_on_sc=False),
  )(_emb_body)
  return f(idx, table)


def kernel(data, W):
  idx = data.reshape(_NW, _PER_W, _HIST)
  return _emb(idx, W)

# --- scband reference (transcript-rebuilt; emitter-appended) ---
"""Pipeline reference for scband-my-embedding-75479755260368 (READ-ONLY COPY).

The authoritative reference and input builder live on the scoring server;
editing this copy changes nothing except your own understanding.
"""

import jax, jax.numpy as jnp
import numpy as np

VOCAB = 1000000
EMB = 64
BATCH = 16384
HIST = 50

def setup_inputs(seed: int = 0) -> dict:
    key = jax.random.key(seed)
    k1, k2 = jax.random.split(key)
    # indices into the word embedding table (values strictly < VOCAB, so the
    # padding row at index VOCAB is never selected)
    data = jax.random.randint(k1, (BATCH, HIST), 0, VOCAB, dtype=jnp.int32)
    # word embedding table: num_embeddings = VOCAB + 1 (padding=True adds one row),
    # padding_idx = VOCAB -> that row is zero
    W = jax.random.normal(k2, (VOCAB + 1, EMB), dtype=jnp.float32) * 0.02
    W = W.at[VOCAB].set(0.0)
    return {"data": data, "W": W}

def reference(data, W):
    # flavor == 1: return self.wembeddings(torch.tensor(data).long())
    return jnp.take(W, data, axis=0)

if __name__ == "__main__":
    import jax
    _d = setup_inputs()
    print(jax.jit(kernel)(*tuple(_d.values())))

</pallas_src>

<mosaic_0001>
#map = affine_map<(d0, d1) -> (0, 0, 0)>
#map1 = affine_map<(d0, d1) -> (0, 0)>
module attributes {stable_mosaic.version = 14 : i64} {
  func.func @_emb_body(%arg0: i32, %arg1: i32, %arg2: memref<32x512x50xi32, #tpu.memory_space<hbm>>, %arg3: memref<1000001x64xf32, #tpu.memory_space<hbm>>, %arg4: memref<16384x50x64xf32, #tpu.memory_space<hbm>>, %arg5: memref<512x50xi32, #tpu.memory_space<vmem>>, %arg6: memref<8x50x64xf32, #tpu.memory_space<vmem>>, %arg7: memref<!tpu.dma_semaphore, #tpu.memory_space<semaphore_mem>>, %arg8: memref<!tpu.dma_semaphore, #tpu.memory_space<semaphore_mem>>, %arg9: memref<!tpu.dma_semaphore, #tpu.memory_space<semaphore_mem>>, %arg10: memref<!tpu.dma_semaphore, #tpu.memory_space<semaphore_mem>>, %arg11: memref<!tpu.dma_semaphore, #tpu.memory_space<semaphore_mem>>, %arg12: memref<!tpu.dma_semaphore, #tpu.memory_space<semaphore_mem>>, %arg13: memref<!tpu.dma_semaphore, #tpu.memory_space<semaphore_mem>>, %arg14: memref<!tpu.dma_semaphore, #tpu.memory_space<semaphore_mem>>, %arg15: memref<!tpu.dma_semaphore, #tpu.memory_space<semaphore_mem>>, %arg16: memref<!tpu.dma_semaphore, #tpu.memory_space<semaphore_mem>>, %arg17: memref<!tpu.dma_semaphore, #tpu.memory_space<semaphore_mem>>, %arg18: memref<!tpu.dma_semaphore, #tpu.memory_space<semaphore_mem>>, %arg19: memref<!tpu.dma_semaphore, #tpu.memory_space<semaphore_mem>>, %arg20: memref<!tpu.dma_semaphore, #tpu.memory_space<semaphore_mem>>, %arg21: memref<!tpu.dma_semaphore, #tpu.memory_space<semaphore_mem>>, %arg22: memref<!tpu.dma_semaphore, #tpu.memory_space<semaphore_mem>>) attributes {dimension_semantics = [#tpu.dimension_semantics<core_parallel>, #tpu.dimension_semantics<subcore_parallel>], iteration_bounds = array<i64: 2, 16>, scalar_prefetch = 0 : i64, scratch_operands = 18 : i64, tpu.core_type = #tpu.core_type<sc_vector_subcore>, window_params = [{transform_indices = #map}, {transform_indices = #map1}, {transform_indices = #map}]} {
    %mul3A = arith.constant 2 : i32
    %mul3A_0 = arith.muli %arg1, %mul3A : i32
    %add3A = arith.addi %mul3A_0, %arg0 : i32
    %mul3A_1 = arith.constant 512 : i32
    %mul3A_2 = arith.muli %add3A, %mul3A_1 : i32
    "tpu.region"() ({
      %run_scoped3A = tpu.sem_alloc : memref<!tpu.dma_semaphore, #tpu.memory_space<semaphore_mem>>
      %dma_start3A_108 = arith.constant 0 : i32
      %dma_start3A_109 = arith.constant 0 : i32
      %dma_start3A_110 = tpu.memref_slice %arg2[%add3A, %dma_start3A_108, %dma_start3A_109] : memref<32x512x50xi32, #tpu.memory_space<hbm>> -> memref<1x512x50xi32, #tpu.memory_space<hbm>>
      %dma_start3A_111 = tpu.memref_squeeze %dma_start3A_110 : memref<1x512x50xi32, #tpu.memory_space<hbm>> -> memref<512x50xi32, #tpu.memory_space<hbm>>
      %dma_start3A_112 = arith.constant 0 : i32
      %dma_start3A_113 = arith.constant 0 : i32
      %dma_start3A_114 = tpu.memref_slice %arg2[%add3A, %dma_start3A_112, %dma_start3A_113] : memref<32x512x50xi32, #tpu.memory_space<hbm>> -> memref<1x512x50xi32, #tpu.memory_space<hbm>>
      %dma_start3A_115 = tpu.memref_squeeze %dma_start3A_114 : memref<1x512x50xi32, #tpu.memory_space<hbm>> -> memref<512x50xi32, #tpu.memory_space<hbm>>
      tpu.enqueue_dma source(%dma_start3A_115 : memref<512x50xi32, #tpu.memory_space<hbm>>) target(%arg5 : memref<512x50xi32, #tpu.memory_space<vmem>>) target_semaphore(%run_scoped3A : memref<!tpu.dma_semaphore, #tpu.memory_space<semaphore_mem>>)
      %dma_wait3A_116 = arith.constant 0 : i32
      %dma_wait3A_117 = arith.constant 0 : i32
      %dma_wait3A_118 = tpu.memref_slice %arg2[%add3A, %dma_wait3A_116, %dma_wait3A_117] : memref<32x512x50xi32, #tpu.memory_space<hbm>> -> memref<1x512x50xi32, #tpu.memory_space<hbm>>
      %dma_wait3A_119 = tpu.memref_squeeze %dma_wait3A_118 : memref<1x512x50xi32, #tpu.memory_space<hbm>> -> memref<512x50xi32, #tpu.memory_space<hbm>>
      %dma_wait3A_120 = arith.constant 0 : i32
      %dma_wait3A_121 = arith.constant 0 : i32
      %dma_wait3A_122 = tpu.memref_slice %arg2[%add3A, %dma_wait3A_120, %dma_wait3A_121] : memref<32x512x50xi32, #tpu.memory_space<hbm>> -> memref<1x512x50xi32, #tpu.memory_space<hbm>>
      %dma_wait3A_123 = tpu.memref_squeeze %dma_wait3A_122 : memref<1x512x50xi32, #tpu.memory_space<hbm>> -> memref<512x50xi32, #tpu.memory_space<hbm>>
      tpu.wait_dma2 semaphore(%run_scoped3A : memref<!tpu.dma_semaphore, #tpu.memory_space<semaphore_mem>>) src(%dma_wait3A_123 : memref<512x50xi32, #tpu.memory_space<hbm>>) dst(%arg5 : memref<512x50xi32, #tpu.memory_space<vmem>>)
      tpu.yield
    }) : () -> ()
    %dma_start3A = arith.constant 0 : i32
    %dma_start3A_3 = arith.constant 0 : i32
    %dma_start3A_4 = arith.constant 0 : i32
    %dma_start3A_5 = arith.constant 0 : i32
    %dma_start3A_6 = tpu.memref_slice %arg6[%dma_start3A_3, %dma_start3A_4, %dma_start3A_5] : memref<8x50x64xf32, #tpu.memory_space<vmem>> -> memref<1x50x64xf32, #tpu.memory_space<vmem>>
    %dma_start3A_7 = tpu.memref_squeeze %dma_start3A_6 : memref<1x50x64xf32, #tpu.memory_space<vmem>> -> memref<50x64xf32, #tpu.memory_space<vmem>>
    %dma_start3A_8 = arith.constant 0 : i32
    %dma_start3A_9 = tpu.memref_slice %arg5[%dma_start3A, %dma_start3A_8] : memref<512x50xi32, #tpu.memory_space<vmem>> -> memref<1x50xi32, #tpu.memory_space<vmem>>
    %dma_start3A_10 = tpu.memref_squeeze %dma_start3A_9 : memref<1x50xi32, #tpu.memory_space<vmem>> -> memref<50xi32, #tpu.memory_space<vmem>>
    %dma_start3A_11 = arith.constant 0 : i32
    %dma_start3A_12 = arith.constant 0 : i32
    %dma_start3A_13 = tpu.memref_slice %arg3[%dma_start3A_11, %dma_start3A_12] : memref<1000001x64xf32, #tpu.memory_space<hbm>> -> memref<1000001x64xf32, #tpu.memory_space<hbm>>
    tpu.enqueue_indirect_dma source(%dma_start3A_13 : memref<1000001x64xf32, #tpu.memory_space<hbm>>) target(%dma_start3A_7 : memref<50x64xf32, #tpu.memory_space<vmem>>) offsets(%dma_start3A_10 : memref<50xi32, #tpu.memory_space<vmem>>) semaphore(%arg7 : memref<!tpu.dma_semaphore, #tpu.memory_space<semaphore_mem>>)
    %dma_start3A_14 = arith.constant 1 : i32
    %dma_start3A_15 = arith.constant 1 : i32
    %dma_start3A_16 = arith.constant 0 : i32
    %dma_start3A_17 = arith.constant 0 : i32
    %dma_start3A_18 = tpu.memref_slice %arg6[%dma_start3A_15, %dma_start3A_16, %dma_start3A_17] : memref<8x50x64xf32, #tpu.memory_space<vmem>> -> memref<1x50x64xf32, #tpu.memory_space<vmem>>
    %dma_start3A_19 = tpu.memref_squeeze %dma_start3A_18 : memref<1x50x64xf32, #tpu.memory_space<vmem>> -> memref<50x64xf32, #tpu.memory_space<vmem>>
    %dma_start3A_20 = arith.constant 0 : i32
    %dma_start3A_21 = tpu.memref_slice %arg5[%dma_start3A_14, %dma_start3A_20] : memref<512x50xi32, #tpu.memory_space<vmem>> -> memref<1x50xi32, #tpu.memory_space<vmem>>
    %dma_start3A_22 = tpu.memref_squeeze %dma_start3A_21 : memref<1x50xi32, #tpu.memory_space<vmem>> -> memref<50xi32, #tpu.memory_space<vmem>>
    %dma_start3A_23 = arith.constant 0 : i32
    %dma_start3A_24 = arith.constant 0 : i32
    %dma_start3A_25 = tpu.memref_slice %arg3[%dma_start3A_23, %dma_start3A_24] : memref<1000001x64xf32, #tpu.memory_space<hbm>> -> memref<1000001x64xf32, #tpu.memory_space<hbm>>
    tpu.enqueue_indirect_dma source(%dma_start3A_25 : memref<1000001x64xf32, #tpu.memory_space<hbm>>) target(%dma_start3A_19 : memref<50x64xf32, #tpu.memory_space<vmem>>) offsets(%dma_start3A_22 : memref<50xi32, #tpu.memory_space<vmem>>) semaphore(%arg8 : memref<!tpu.dma_semaphore, #tpu.memory_space<semaphore_mem>>)
    %dma_start3A_26 = arith.constant 2 : i32
    %dma_start3A_27 = arith.constant 2 : i32
    %dma_start3A_28 = arith.constant 0 : i32
    %dma_start3A_29 = arith.constant 0 : i32
    %dma_start3A_30 = tpu.memref_slice %arg6[%dma_start3A_27, %dma_start3A_28, %dma_start3A_29] : memref<8x50x64xf32, #tpu.memory_space<vmem>> -> memref<1x50x64xf32, #tpu.memory_space<vmem>>
    %dma_start3A_31 = tpu.memref_squeeze %dma_start3A_30 : memref<1x50x64xf32, #tpu.memory_space<vmem>> -> memref<50x64xf32, #tpu.memory_space<vmem>>
    %dma_start3A_32 = arith.constant 0 : i32
    %dma_start3A_33 = tpu.memref_slice %arg5[%dma_start3A_26, %dma_start3A_32] : memref<512x50xi32, #tpu.memory_space<vmem>> -> memref<1x50xi32, #tpu.memory_space<vmem>>
    %dma_start3A_34 = tpu.memref_squeeze %dma_start3A_33 : memref<1x50xi32, #tpu.memory_space<vmem>> -> memref<50xi32, #tpu.memory_space<vmem>>
    %dma_start3A_35 = arith.constant 0 : i32
    %dma_start3A_36 = arith.constant 0 : i32
    %dma_start3A_37 = tpu.memref_slice %arg3[%dma_start3A_35, %dma_start3A_36] : memref<1000001x64xf32, #tpu.memory_space<hbm>> -> memref<1000001x64xf32, #tpu.memory_space<hbm>>
    tpu.enqueue_indirect_dma source(%dma_start3A_37 : memref<1000001x64xf32, #tpu.memory_space<hbm>>) target(%dma_start3A_31 : memref<50x64xf32, #tpu.memory_space<vmem>>) offsets(%dma_start3A_34 : memref<50xi32, #tpu.memory_space<vmem>>) semaphore(%arg9 : memref<!tpu.dma_semaphore, #tpu.memory_space<semaphore_mem>>)
    %dma_start3A_38 = arith.constant 3 : i32
    %dma_start3A_39 = arith.constant 3 : i32
    %dma_start3A_40 = arith.constant 0 : i32
    %dma_start3A_41 = arith.constant 0 : i32
    %dma_start3A_42 = tpu.memref_slice %arg6[%dma_start3A_39, %dma_start3A_40, %dma_start3A_41] : memref<8x50x64xf32, #tpu.memory_space<vmem>> -> memref<1x50x64xf32, #tpu.memory_space<vmem>>
    %dma_start3A_43 = tpu.memref_squeeze %dma_start3A_42 : memref<1x50x64xf32, #tpu.memory_space<vmem>> -> memref<50x64xf32, #tpu.memory_space<vmem>>
    %dma_start3A_44 = arith.constant 0 : i32
    %dma_start3A_45 = tpu.memref_slice %arg5[%dma_start3A_38, %dma_start3A_44] : memref<512x50xi32, #tpu.memory_space<vmem>> -> memref<1x50xi32, #tpu.memory_space<vmem>>
    %dma_start3A_46 = tpu.memref_squeeze %dma_start3A_45 : memref<1x50xi32, #tpu.memory_space<vmem>> -> memref<50xi32, #tpu.memory_space<vmem>>
    %dma_start3A_47 = arith.constant 0 : i32
    %dma_start3A_48 = arith.constant 0 : i32
    %dma_start3A_49 = tpu.memref_slice %arg3[%dma_start3A_47, %dma_start3A_48] : memref<1000001x64xf32, #tpu.memory_space<hbm>> -> memref<1000001x64xf32, #tpu.memory_space<hbm>>
    tpu.enqueue_indirect_dma source(%dma_start3A_49 : memref<1000001x64xf32, #tpu.memory_space<hbm>>) target(%dma_start3A_43 : memref<50x64xf32, #tpu.memory_space<vmem>>) offsets(%dma_start3A_46 : memref<50xi32, #tpu.memory_space<vmem>>) semaphore(%arg10 : memref<!tpu.dma_semaphore, #tpu.memory_space<semaphore_mem>>)
    %dma_start3A_50 = arith.constant 4 : i32
    %dma_start3A_51 = arith.constant 4 : i32
    %dma_start3A_52 = arith.constant 0 : i32
    %dma_start3A_53 = arith.constant 0 : i32
    %dma_start3A_54 = tpu.memref_slice %arg6[%dma_start3A_51, %dma_start3A_52, %dma_start3A_53] : memref<8x50x64xf32, #tpu.memory_space<vmem>> -> memref<1x50x64xf32, #tpu.memory_space<vmem>>
    %dma_start3A_55 = tpu.memref_squeeze %dma_start3A_54 : memref<1x50x64xf32, #tpu.memory_space<vmem>> -> memref<50x64xf32, #tpu.memory_space<vmem>>
    %dma_start3A_56 = arith.constant 0 : i32
    %dma_start3A_57 = tpu.memref_slice %arg5[%dma_start3A_50, %dma_start3A_56] : memref<512x50xi32, #tpu.memory_space<vmem>> -> memref<1x50xi32, #tpu.memory_space<vmem>>
    %dma_start3A_58 = tpu.memref_squeeze %dma_start3A_57 : memref<1x50xi32, #tpu.memory_space<vmem>> -> memref<50xi32, #tpu.memory_space<vmem>>
    %dma_start3A_59 = arith.constant 0 : i32
    %dma_start3A_60 = arith.constant 0 : i32
    %dma_start3A_61 = tpu.memref_slice %arg3[%dma_start3A_59, %dma_start3A_60] : memref<1000001x64xf32, #tpu.memory_space<hbm>> -> memref<1000001x64xf32, #tpu.memory_space<hbm>>
    tpu.enqueue_indirect_dma source(%dma_start3A_61 : memref<1000001x64xf32, #tpu.memory_space<hbm>>) target(%dma_start3A_55 : memref<50x64xf32, #tpu.memory_space<vmem>>) offsets(%dma_start3A_58 : memref<50xi32, #tpu.memory_space<vmem>>) semaphore(%arg11 : memref<!tpu.dma_semaphore, #tpu.memory_space<semaphore_mem>>)
    %dma_start3A_62 = arith.constant 5 : i32
    %dma_start3A_63 = arith.constant 5 : i32
    %dma_start3A_64 = arith.constant 0 : i32
    %dma_start3A_65 = arith.constant 0 : i32
    %dma_start3A_66 = tpu.memref_slice %arg6[%dma_start3A_63, %dma_start3A_64, %dma_start3A_65] : memref<8x50x64xf32, #tpu.memory_space<vmem>> -> memref<1x50x64xf32, #tpu.memory_space<vmem>>
    %dma_start3A_67 = tpu.memref_squeeze %dma_start3A_66 : memref<1x50x64xf32, #tpu.memory_space<vmem>> -> memref<50x64xf32, #tpu.memory_space<vmem>>
    %dma_start3A_68 = arith.constant 0 : i32
    %dma_start3A_69 = tpu.memref_slice %arg5[%dma_start3A_62, %dma_start3A_68] : memref<512x50xi32, #tpu.memory_space<vmem>> -> memref<1x50xi32, #tpu.memory_space<vmem>>
    %dma_start3A_70 = tpu.memref_squeeze %dma_start3A_69 : memref<1x50xi32, #tpu.memory_space<vmem>> -> memref<50xi32, #tpu.memory_space<vmem>>
    %dma_start3A_71 = arith.constant 0 : i32
    %dma_start3A_72 = arith.constant 0 : i32
    %dma_start3A_73 = tpu.memref_slice %arg3[%dma_start3A_71, %dma_start3A_72] : memref<1000001x64xf32, #tpu.memory_space<hbm>> -> memref<1000001x64xf32, #tpu.memory_space<hbm>>
    tpu.enqueue_indirect_dma source(%dma_start3A_73 : memref<1000001x64xf32, #tpu.memory_space<hbm>>) target(%dma_start3A_67 : memref<50x64xf32, #tpu.memory_space<vmem>>) offsets(%dma_start3A_70 : memref<50xi32, #tpu.memory_space<vmem>>) semaphore(%arg12 : memref<!tpu.dma_semaphore, #tpu.memory_space<semaphore_mem>>)
    %dma_start3A_74 = arith.constant 6 : i32
    %dma_start3A_75 = arith.constant 6 : i32
    %dma_start3A_76 = arith.constant 0 : i32
    %dma_start3A_77 = arith.constant 0 : i32
    %dma_start3A_78 = tpu.memref_slice %arg6[%dma_start3A_75, %dma_start3A_76, %dma_start3A_77] : memref<8x50x64xf32, #tpu.memory_space<vmem>> -> memref<1x50x64xf32, #tpu.memory_space<vmem>>
    %dma_start3A_79 = tpu.memref_squeeze %dma_start3A_78 : memref<1x50x64xf32, #tpu.memory_space<vmem>> -> memref<50x64xf32, #tpu.memory_space<vmem>>
    %dma_start3A_80 = arith.constant 0 : i32
    %dma_start3A_81 = tpu.memref_slice %arg5[%dma_start3A_74, %dma_start3A_80] : memref<512x50xi32, #tpu.memory_space<vmem>> -> memref<1x50xi32, #tpu.memory_space<vmem>>
    %dma_start3A_82 = tpu.memref_squeeze %dma_start3A_81 : memref<1x50xi32, #tpu.memory_space<vmem>> -> memref<50xi32, #tpu.memory_space<vmem>>
    %dma_start3A_83 = arith.constant 0 : i32
    %dma_start3A_84 = arith.constant 0 : i32
    %dma_start3A_85 = tpu.memref_slice %arg3[%dma_start3A_83, %dma_start3A_84] : memref<1000001x64xf32, #tpu.memory_space<hbm>> -> memref<1000001x64xf32, #tpu.memory_space<hbm>>
    tpu.enqueue_indirect_dma source(%dma_start3A_85 : memref<1000001x64xf32, #tpu.memory_space<hbm>>) target(%dma_start3A_79 : memref<50x64xf32, #tpu.memory_space<vmem>>) offsets(%dma_start3A_82 : memref<50xi32, #tpu.memory_space<vmem>>) semaphore(%arg13 : memref<!tpu.dma_semaphore, #tpu.memory_space<semaphore_mem>>)
    %scan3A = arith.constant 0 : i32
    %scan3A_86 = arith.constant 64 : i32
    %scan3A_87 = arith.addi %scan3A, %scan3A_86 : i32
    %scan3A_88 = arith.constant 1 : i32
    scf.for %scan3A_108 = %scan3A to %scan3A_87 step %scan3A_88  : i32 {
      %mul3A_109 = arith.constant 1 : i32
      %mul3A_110 = arith.muli %scan3A_108, %mul3A_109 : i32
      %add3A_111 = arith.constant 0 : i32
      %add3A_112 = arith.addi %add3A_111, %mul3A_110 : i32
      %mul3A_113 = arith.constant 8 : i32
      %mul3A_114 = arith.muli %mul3A_113, %add3A_112 : i32
      %add3A_115 = arith.constant 0 : i32
      %add3A_116 = arith.addi %mul3A_114, %add3A_115 : i32
      %ge3A = arith.constant 1 : i32
      %ge3A_117 = arith.cmpi sge, %add3A_116, %ge3A : i32
      %convert_element_type3A = arith.extui %ge3A_117 : i1 to i32
      %cond3A = arith.constant 0 : i32
      %cond3A_118 = arith.cmpi ne, %convert_element_type3A, %cond3A : i32
      scf.if %cond3A_118 {
        %sub3A_516 = arith.constant 1 : i32
        %sub3A_517 = arith.subi %add3A_116, %sub3A_516 : i32
        %add3A_518 = arith.addi %mul3A_2, %sub3A_517 : i32
        %dma_wait3A_519 = arith.constant 7 : i32
        %dma_wait3A_520 = arith.constant 0 : i32
        %dma_wait3A_521 = arith.constant 0 : i32
        %dma_wait3A_522 = tpu.memref_slice %arg6[%dma_wait3A_519, %dma_wait3A_520, %dma_wait3A_521] : memref<8x50x64xf32, #tpu.memory_space<vmem>> -> memref<1x50x64xf32, #tpu.memory_space<vmem>>
        %dma_wait3A_523 = tpu.memref_squeeze %dma_wait3A_522 : memref<1x50x64xf32, #tpu.memory_space<vmem>> -> memref<50x64xf32, #tpu.memory_space<vmem>>
        %dma_wait3A_524 = arith.constant 0 : i32
        %dma_wait3A_525 = arith.constant 0 : i32
        %dma_wait3A_526 = tpu.memref_slice %arg4[%add3A_518, %dma_wait3A_524, %dma_wait3A_525] : memref<16384x50x64xf32, #tpu.memory_space<hbm>> -> memref<1x50x64xf32, #tpu.memory_space<hbm>>
        %dma_wait3A_527 = tpu.memref_squeeze %dma_wait3A_526 : memref<1x50x64xf32, #tpu.memory_space<hbm>> -> memref<50x64xf32, #tpu.memory_space<hbm>>
        %dma_wait3A_528 = arith.constant 0 : i32
        %dma_wait3A_529 = arith.constant 0 : i32
        %dma_wait3A_530 = tpu.memref_slice %arg4[%add3A_518, %dma_wait3A_528, %dma_wait3A_529] : memref<16384x50x64xf32, #tpu.memory_space<hbm>> -> memref<1x50x64xf32, #tpu.memory_space<hbm>>
        %dma_wait3A_531 = tpu.memref_squeeze %dma_wait3A_530 : memref<1x50x64xf32, #tpu.memory_space<hbm>> -> memref<50x64xf32, #tpu.memory_space<hbm>>
        %dma_wait3A_532 = arith.constant 0 : i32
        %dma_wait3A_533 = arith.constant 0 : i32
        %dma_wait3A_534 = tpu.memref_slice %arg6[%dma_wait3A_519, %dma_wait3A_532, %dma_wait3A_533] : memref<8x50x64xf32, #tpu.memory_space<vmem>> -> memref<1x50x64xf32, #tpu.memory_space<vmem>>
        %dma_wait3A_535 = tpu.memref_squeeze %dma_wait3A_534 : memref<1x50x64xf32, #tpu.memory_space<vmem>> -> memref<50x64xf32, #tpu.memory_space<vmem>>
        tpu.wait_dma2 semaphore(%arg22 : memref<!tpu.dma_semaphore, #tpu.memory_space<semaphore_mem>>) src(%dma_wait3A_535 : memref<50x64xf32, #tpu.memory_space<vmem>>) dst(%dma_wait3A_531 : memref<50x64xf32, #tpu.memory_space<hbm>>)
      } else {
      }
      %add3A_119 = arith.constant 8 : i32
      %add3A_120 = arith.addi %add3A_116, %add3A_119 : i32
      %sub3A = arith.constant 1 : i32
      %sub3A_121 = arith.subi %add3A_120, %sub3A : i32
      %lt3A = arith.constant 512 : i32
      %lt3A_122 = arith.cmpi slt, %sub3A_121, %lt3A : i32
      %convert_element_type3A_123 = arith.extui %lt3A_122 : i1 to i32
      %cond3A_124 = arith.constant 0 : i32
      %cond3A_125 = arith.cmpi ne, %convert_element_type3A_123, %cond3A_124 : i32
      scf.if %cond3A_125 {
        %add3A_516 = arith.constant 8 : i32
        %add3A_517 = arith.addi %add3A_116, %add3A_516 : i32
        %sub3A_518 = arith.constant 1 : i32
        %sub3A_519 = arith.subi %add3A_517, %sub3A_518 : i32
        %dma_start3A_520 = arith.constant 7 : i32
        %dma_start3A_521 = arith.constant 0 : i32
        %dma_start3A_522 = arith.constant 0 : i32
        %dma_start3A_523 = tpu.memref_slice %arg6[%dma_start3A_520, %dma_start3A_521, %dma_start3A_522] : memref<8x50x64xf32, #tpu.memory_space<vmem>> -> memref<1x50x64xf32, #tpu.memory_space<vmem>>
        %dma_start3A_524 = tpu.memref_squeeze %dma_start3A_523 : memref<1x50x64xf32, #tpu.memory_space<vmem>> -> memref<50x64xf32, #tpu.memory_space<vmem>>
        %dma_start3A_525 = arith.constant 0 : i32
        %dma_start3A_526 = tpu.memref_slice %arg5[%sub3A_519, %dma_start3A_525] : memref<512x50xi32, #tpu.memory_space<vmem>> -> memref<1x50xi32, #tpu.memory_space<vmem>>
        %dma_start3A_527 = tpu.memref_squeeze %dma_start3A_526 : memref<1x50xi32, #tpu.memory_space<vmem>> -> memref<50xi32, #tpu.memory_space<vmem>>
        %dma_start3A_528 = arith.constant 0 : i32
        %dma_start3A_529 = arith.constant 0 : i32
        %dma_start3A_530 = tpu.memref_slice %arg3[%dma_start3A_528, %dma_start3A_529] : memref<1000001x64xf32, #tpu.memory_space<hbm>> -> memref<1000001x64xf32, #tpu.memory_space<hbm>>
        tpu.enqueue_indirect_dma source(%dma_start3A_530 : memref<1000001x64xf32, #tpu.memory_space<hbm>>) target(%dma_start3A_524 : memref<50x64xf32, #tpu.memory_space<vmem>>) offsets(%dma_start3A_527 : memref<50xi32, #tpu.memory_space<vmem>>) semaphore(%arg14 : memref<!tpu.dma_semaphore, #tpu.memory_space<semaphore_mem>>)
      } else {
      }
      %dma_wait3A_126 = arith.constant 0 : i32
      %dma_wait3A_127 = arith.constant 0 : i32
      %dma_wait3A_128 = arith.constant 0 : i32
      %dma_wait3A_129 = tpu.memref_slice %arg6[%dma_wait3A_126, %dma_wait3A_127, %dma_wait3A_128] : memref<8x50x64xf32, #tpu.memory_space<vmem>> -> memref<1x50x64xf32, #tpu.memory_space<vmem>>
      %dma_wait3A_130 = tpu.memref_squeeze %dma_wait3A_129 : memref<1x50x64xf32, #tpu.memory_space<vmem>> -> memref<50x64xf32, #tpu.memory_space<vmem>>
      %dma_wait3A_131 = arith.constant 0 : i32
      %dma_wait3A_132 = arith.constant 0 : i32
      %dma_wait3A_133 = tpu.memref_slice %arg3[%dma_wait3A_131, %dma_wait3A_132] : memref<1000001x64xf32, #tpu.memory_space<hbm>> -> memref<50x64xf32, #tpu.memory_space<hbm>>
      %dma_wait3A_134 = arith.constant 0 : i32
      %dma_wait3A_135 = arith.constant 0 : i32
      %dma_wait3A_136 = tpu.memref_slice %arg6[%dma_wait3A_126, %dma_wait3A_134, %dma_wait3A_135] : memref<8x50x64xf32, #tpu.memory_space<vmem>> -> memref<1x50x64xf32, #tpu.memory_space<vmem>>
      %dma_wait3A_137 = tpu.memref_squeeze %dma_wait3A_136 : memref<1x50x64xf32, #tpu.memory_space<vmem>> -> memref<50x64xf32, #tpu.memory_space<vmem>>
      %dma_wait3A_138 = arith.constant 0 : i32
      %dma_wait3A_139 = arith.constant 0 : i32
      %dma_wait3A_140 = tpu.memref_slice %arg3[%dma_wait3A_138, %dma_wait3A_139] : memref<1000001x64xf32, #tpu.memory_space<hbm>> -> memref<50x64xf32, #tpu.memory_space<hbm>>
      tpu.wait_dma2 semaphore(%arg7 : memref<!tpu.dma_semaphore, #tpu.memory_space<semaphore_mem>>) src(%dma_wait3A_140 : memref<50x64xf32, #tpu.memory_space<hbm>>) dst(%dma_wait3A_137 : memref<50x64xf32, #tpu.memory_space<vmem>>)
      %add3A_141 = arith.addi %mul3A_2, %add3A_116 : i32
      %dma_start3A_142 = arith.constant 0 : i32
      %dma_start3A_143 = arith.constant 0 : i32
      %dma_start3A_144 = arith.constant 0 : i32
      %dma_start3A_145 = tpu.memref_slice %arg6[%dma_start3A_142, %dma_start3A_143, %dma_start3A_144] : memref<8x50x64xf32, #tpu.memory_space<vmem>> -> memref<1x50x64xf32, #tpu.memory_space<vmem>>
      %dma_start3A_146 = tpu.memref_squeeze %dma_start3A_145 : memref<1x50x64xf32, #tpu.memory_space<vmem>> -> memref<50x64xf32, #tpu.memory_space<vmem>>
      %dma_start3A_147 = arith.constant 0 : i32
      %dma_start3A_148 = arith.constant 0 : i32
      %dma_start3A_149 = tpu.memref_slice %arg4[%add3A_141, %dma_start3A_147, %dma_start3A_148] : memref<16384x50x64xf32, #tpu.memory_space<hbm>> -> memref<1x50x64xf32, #tpu.memory_space<hbm>>
      %dma_start3A_150 = tpu.memref_squeeze %dma_start3A_149 : memref<1x50x64xf32, #tpu.memory_space<hbm>> -> memref<50x64xf32, #tpu.memory_space<hbm>>
      %dma_start3A_151 = arith.constant 0 : i32
      %dma_start3A_152 = arith.constant 0 : i32
      %dma_start3A_153 = tpu.memref_slice %arg4[%add3A_141, %dma_start3A_151, %dma_start3A_152] : memref<16384x50x64xf32, #tpu.memory_space<hbm>> -> memref<1x50x64xf32, #tpu.memory_space<hbm>>
      %dma_start3A_154 = tpu.memref_squeeze %dma_start3A_153 : memref<1x50x64xf32, #tpu.memory_space<hbm>> -> memref<50x64xf32, #tpu.memory_space<hbm>>
      %dma_start3A_155 = arith.constant 0 : i32
      %dma_start3A_156 = arith.constant 0 : i32
      %dma_start3A_157 = tpu.memref_slice %arg6[%dma_start3A_142, %dma_start3A_155, %dma_start3A_156] : memref<8x50x64xf32, #tpu.memory_space<vmem>> -> memref<1x50x64xf32, #tpu.memory_space<vmem>>
      %dma_start3A_158 = tpu.memref_squeeze %dma_start3A_157 : memref<1x50x64xf32, #tpu.memory_space<vmem>> -> memref<50x64xf32, #tpu.memory_space<vmem>>
      tpu.enqueue_dma source(%dma_start3A_158 : memref<50x64xf32, #tpu.memory_space<vmem>>) target(%dma_start3A_154 : memref<50x64xf32, #tpu.memory_space<hbm>>) target_semaphore(%arg15 : memref<!tpu.dma_semaphore, #tpu.memory_space<semaphore_mem>>)
      %mul3A_159 = arith.constant 8 : i32
      %mul3A_160 = arith.muli %mul3A_159, %add3A_112 : i32
      %add3A_161 = arith.constant 1 : i32
      %add3A_162 = arith.addi %mul3A_160, %add3A_161 : i32
      %ge3A_163 = arith.constant 1 : i32
      %ge3A_164 = arith.cmpi sge, %add3A_162, %ge3A_163 : i32
      %convert_element_type3A_165 = arith.extui %ge3A_164 : i1 to i32
      %cond3A_166 = arith.constant 0 : i32
      %cond3A_167 = arith.cmpi ne, %convert_element_type3A_165, %cond3A_166 : i32
      scf.if %cond3A_167 {
        %sub3A_516 = arith.constant 1 : i32
        %sub3A_517 = arith.subi %add3A_162, %sub3A_516 : i32
        %add3A_518 = arith.addi %mul3A_2, %sub3A_517 : i32
        %dma_wait3A_519 = arith.constant 0 : i32
        %dma_wait3A_520 = arith.constant 0 : i32
        %dma_wait3A_521 = arith.constant 0 : i32
        %dma_wait3A_522 = tpu.memref_slice %arg6[%dma_wait3A_519, %dma_wait3A_520, %dma_wait3A_521] : memref<8x50x64xf32, #tpu.memory_space<vmem>> -> memref<1x50x64xf32, #tpu.memory_space<vmem>>
        %dma_wait3A_523 = tpu.memref_squeeze %dma_wait3A_522 : memref<1x50x64xf32, #tpu.memory_space<vmem>> -> memref<50x64xf32, #tpu.memory_space<vmem>>
        %dma_wait3A_524 = arith.constant 0 : i32
        %dma_wait3A_525 = arith.constant 0 : i32
        %dma_wait3A_526 = tpu.memref_slice %arg4[%add3A_518, %dma_wait3A_524, %dma_wait3A_525] : memref<16384x50x64xf32, #tpu.memory_space<hbm>> -> memref<1x50x64xf32, #tpu.memory_space<hbm>>
        %dma_wait3A_527 = tpu.memref_squeeze %dma_wait3A_526 : memref<1x50x64xf32, #tpu.memory_space<hbm>> -> memref<50x64xf32, #tpu.memory_space<hbm>>
        %dma_wait3A_528 = arith.constant 0 : i32
        %dma_wait3A_529 = arith.constant 0 : i32
        %dma_wait3A_530 = tpu.memref_slice %arg4[%add3A_518, %dma_wait3A_528, %dma_wait3A_529] : memref<16384x50x64xf32, #tpu.memory_space<hbm>> -> memref<1x50x64xf32, #tpu.memory_space<hbm>>
        %dma_wait3A_531 = tpu.memref_squeeze %dma_wait3A_530 : memref<1x50x64xf32, #tpu.memory_space<hbm>> -> memref<50x64xf32, #tpu.memory_space<hbm>>
        %dma_wait3A_532 = arith.constant 0 : i32
        %dma_wait3A_533 = arith.constant 0 : i32
        %dma_wait3A_534 = tpu.memref_slice %arg6[%dma_wait3A_519, %dma_wait3A_532, %dma_wait3A_533] : memref<8x50x64xf32, #tpu.memory_space<vmem>> -> memref<1x50x64xf32, #tpu.memory_space<vmem>>
        %dma_wait3A_535 = tpu.memref_squeeze %dma_wait3A_534 : memref<1x50x64xf32, #tpu.memory_space<vmem>> -> memref<50x64xf32, #tpu.memory_space<vmem>>
        tpu.wait_dma2 semaphore(%arg15 : memref<!tpu.dma_semaphore, #tpu.memory_space<semaphore_mem>>) src(%dma_wait3A_535 : memref<50x64xf32, #tpu.memory_space<vmem>>) dst(%dma_wait3A_531 : memref<50x64xf32, #tpu.memory_space<hbm>>)
      } else {
      }
      %add3A_168 = arith.constant 8 : i32
      %add3A_169 = arith.addi %add3A_162, %add3A_168 : i32
      %sub3A_170 = arith.constant 1 : i32
      %sub3A_171 = arith.subi %add3A_169, %sub3A_170 : i32
      %lt3A_172 = arith.constant 512 : i32
      %lt3A_173 = arith.cmpi slt, %sub3A_171, %lt3A_172 : i32
      %convert_element_type3A_174 = arith.extui %lt3A_173 : i1 to i32
      %cond3A_175 = arith.constant 0 : i32
      %cond3A_176 = arith.cmpi ne, %convert_element_type3A_174, %cond3A_175 : i32
      scf.if %cond3A_176 {
        %add3A_516 = arith.constant 8 : i32
        %add3A_517 = arith.addi %add3A_162, %add3A_516 : i32
        %sub3A_518 = arith.constant 1 : i32
        %sub3A_519 = arith.subi %add3A_517, %sub3A_518 : i32
        %dma_start3A_520 = arith.constant 0 : i32
        %dma_start3A_521 = arith.constant 0 : i32
        %dma_start3A_522 = arith.constant 0 : i32
        %dma_start3A_523 = tpu.memref_slice %arg6[%dma_start3A_520, %dma_start3A_521, %dma_start3A_522] : memref<8x50x64xf32, #tpu.memory_space<vmem>> -> memref<1x50x64xf32, #tpu.memory_space<vmem>>
        %dma_start3A_524 = tpu.memref_squeeze %dma_start3A_523 : memref<1x50x64xf32, #tpu.memory_space<vmem>> -> memref<50x64xf32, #tpu.memory_space<vmem>>
        %dma_start3A_525 = arith.constant 0 : i32
        %dma_start3A_526 = tpu.memref_slice %arg5[%sub3A_519, %dma_start3A_525] : memref<512x50xi32, #tpu.memory_space<vmem>> -> memref<1x50xi32, #tpu.memory_space<vmem>>
        %dma_start3A_527 = tpu.memref_squeeze %dma_start3A_526 : memref<1x50xi32, #tpu.memory_space<vmem>> -> memref<50xi32, #tpu.memory_space<vmem>>
        %dma_start3A_528 = arith.constant 0 : i32
        %dma_start3A_529 = arith.constant 0 : i32
        %dma_start3A_530 = tpu.memref_slice %arg3[%dma_start3A_528, %dma_start3A_529] : memref<1000001x64xf32, #tpu.memory_space<hbm>> -> memref<1000001x64xf32, #tpu.memory_space<hbm>>
        tpu.enqueue_indirect_dma source(%dma_start3A_530 : memref<1000001x64xf32, #tpu.memory_space<hbm>>) target(%dma_start3A_524 : memref<50x64xf32, #tpu.memory_space<vmem>>) offsets(%dma_start3A_527 : memref<50xi32, #tpu.memory_space<vmem>>) semaphore(%arg7 : memref<!tpu.dma_semaphore, #tpu.memory_space<semaphore_mem>>)
      } else {
      }
      %dma_wait3A_177 = arith.constant 1 : i32
      %dma_wait3A_178 = arith.constant 0 : i32
      %dma_wait3A_179 = arith.constant 0 : i32
      %dma_wait3A_180 = tpu.memref_slice %arg6[%dma_wait3A_177, %dma_wait3A_178, %dma_wait3A_179] : memref<8x50x64xf32, #tpu.memory_space<vmem>> -> memref<1x50x64xf32, #tpu.memory_space<vmem>>
      %dma_wait3A_181 = tpu.memref_squeeze %dma_wait3A_180 : memref<1x50x64xf32, #tpu.memory_space<vmem>> -> memref<50x64xf32, #tpu.memory_space<vmem>>
      %dma_wait3A_182 = arith.constant 0 : i32
      %dma_wait3A_183 = arith.constant 0 : i32
      %dma_wait3A_184 = tpu.memref_slice %arg3[%dma_wait3A_182, %dma_wait3A_183] : memref<1000001x64xf32, #tpu.memory_space<hbm>> -> memref<50x64xf32, #tpu.memory_space<hbm>>
      %dma_wait3A_185 = arith.constant 0 : i32
      %dma_wait3A_186 = arith.constant 0 : i32
      %dma_wait3A_187 = tpu.memref_slice %arg6[%dma_wait3A_177, %dma_wait3A_185, %dma_wait3A_186] : memref<8x50x64xf32, #tpu.memory_space<vmem>> -> memref<1x50x64xf32, #tpu.memory_space<vmem>>
      %dma_wait3A_188 = tpu.memref_squeeze %dma_wait3A_187 : memref<1x50x64xf32, #tpu.memory_space<vmem>> -> memref<50x64xf32, #tpu.memory_space<vmem>>
      %dma_wait3A_189 = arith.constant 0 : i32
      %dma_wait3A_190 = arith.constant 0 : i32
      %dma_wait3A_191 = tpu.memref_slice %arg3[%dma_wait3A_189, %dma_wait3A_190] : memref<1000001x64xf32, #tpu.memory_space<hbm>> -> memref<50x64xf32, #tpu.memory_space<hbm>>
      tpu.wait_dma2 semaphore(%arg8 : memref<!tpu.dma_semaphore, #tpu.memory_space<semaphore_mem>>) src(%dma_wait3A_191 : memref<50x64xf32, #tpu.memory_space<hbm>>) dst(%dma_wait3A_188 : memref<50x64xf32, #tpu.memory_space<vmem>>)
      %add3A_192 = arith.addi %mul3A_2, %add3A_162 : i32
      %dma_start3A_193 = arith.constant 1 : i32
      %dma_start3A_194 = arith.constant 0 : i32
      %dma_start3A_195 = arith.constant 0 : i32
      %dma_start3A_196 = tpu.memref_slice %arg6[%dma_start3A_193, %dma_start3A_194, %dma_start3A_195] : memref<8x50x64xf32, #tpu.memory_space<vmem>> -> memref<1x50x64xf32, #tpu.memory_space<vmem>>
      %dma_start3A_197 = tpu.memref_squeeze %dma_start3A_196 : memref<1x50x64xf32, #tpu.memory_space<vmem>> -> memref<50x64xf32, #tpu.memory_space<vmem>>
      %dma_start3A_198 = arith.constant 0 : i32
      %dma_start3A_199 = arith.constant 0 : i32
      %dma_start3A_200 = tpu.memref_slice %arg4[%add3A_192, %dma_start3A_198, %dma_start3A_199] : memref<16384x50x64xf32, #tpu.memory_space<hbm>> -> memref<1x50x64xf32, #tpu.memory_space<hbm>>
      %dma_start3A_201 = tpu.memref_squeeze %dma_start3A_200 : memref<1x50x64xf32, #tpu.memory_space<hbm>> -> memref<50x64xf32, #tpu.memory_space<hbm>>
      %dma_start3A_202 = arith.constant 0 : i32
      %dma_start3A_203 = arith.constant 0 : i32
      %dma_start3A_204 = tpu.memref_slice %arg4[%add3A_192, %dma_start3A_202, %dma_start3A_203] : memref<16384x50x64xf32, #tpu.memory_space<hbm>> -> memref<1x50x64xf32, #tpu.memory_space<hbm>>
      %dma_start3A_205 = tpu.memref_squeeze %dma_start3A_204 : memref<1x50x64xf32, #tpu.memory_space<hbm>> -> memref<50x64xf32, #tpu.memory_space<hbm>>
      %dma_start3A_206 = arith.constant 0 : i32
      %dma_start3A_207 = arith.constant 0 : i32
      %dma_start3A_208 = tpu.memref_slice %arg6[%dma_start3A_193, %dma_start3A_206, %dma_start3A_207] : memref<8x50x64xf32, #tpu.memory_space<vmem>> -> memref<1x50x64xf32, #tpu.memory_space<vmem>>
      %dma_start3A_209 = tpu.memref_squeeze %dma_start3A_208 : memref<1x50x64xf32, #tpu.memory_space<vmem>> -> memref<50x64xf32, #tpu.memory_space<vmem>>
      tpu.enqueue_dma source(%dma_start3A_209 : memref<50x64xf32, #tpu.memory_space<vmem>>) target(%dma_start3A_205 : memref<50x64xf32, #tpu.memory_space<hbm>>) target_semaphore(%arg16 : memref<!tpu.dma_semaphore, #tpu.memory_space<semaphore_mem>>)
      %mul3A_210 = arith.constant 8 : i32
      %mul3A_211 = arith.muli %mul3A_210, %add3A_112 : i32
      %add3A_212 = arith.constant 2 : i32
      %add3A_213 = arith.addi %mul3A_211, %add3A_212 : i32
      %ge3A_214 = arith.constant 1 : i32
      %ge3A_215 = arith.cmpi sge, %add3A_213, %ge3A_214 : i32
      %convert_element_type3A_216 = arith.extui %ge3A_215 : i1 to i32
      %cond3A_217 = arith.constant 0 : i32
      %cond3A_218 = arith.cmpi ne, %convert_element_type3A_216, %cond3A_217 : i32
      scf.if %cond3A_218 {
        %sub3A_516 = arith.constant 1 : i32
        %sub3A_517 = arith.subi %add3A_213, %sub3A_516 : i32
        %add3A_518 = arith.addi %mul3A_2, %sub3A_517 : i32
        %dma_wait3A_519 = arith.constant 1 : i32
        %dma_wait3A_520 = arith.constant 0 : i32
        %dma_wait3A_521 = arith.constant 0 : i32
        %dma_wait3A_522 = tpu.memref_slice %arg6[%dma_wait3A_519, %dma_wait3A_520, %dma_wait3A_521] : memref<8x50x64xf32, #tpu.memory_space<vmem>> -> memref<1x50x64xf32, #tpu.memory_space<vmem>>
        %dma_wait3A_523 = tpu.memref_squeeze %dma_wait3A_522 : memref<1x50x64xf32, #tpu.memory_space<vmem>> -> memref<50x64xf32, #tpu.memory_space<vmem>>
        %dma_wait3A_524 = arith.constant 0 : i32
        %dma_wait3A_525 = arith.constant 0 : i32
        %dma_wait3A_526 = tpu.memref_slice %arg4[%add3A_518, %dma_wait3A_524, %dma_wait3A_525] : memref<16384x50x64xf32, #tpu.memory_space<hbm>> -> memref<1x50x64xf32, #tpu.memory_space<hbm>>
        %dma_wait3A_527 = tpu.memref_squeeze %dma_wait3A_526 : memref<1x50x64xf32, #tpu.memory_space<hbm>> -> memref<50x64xf32, #tpu.memory_space<hbm>>
        %dma_wait3A_528 = arith.constant 0 : i32
        %dma_wait3A_529 = arith.constant 0 : i32
        %dma_wait3A_530 = tpu.memref_slice %arg4[%add3A_518, %dma_wait3A_528, %dma_wait3A_529] : memref<16384x50x64xf32, #tpu.memory_space<hbm>> -> memref<1x50x64xf32, #tpu.memory_space<hbm>>
        %dma_wait3A_531 = tpu.memref_squeeze %dma_wait3A_530 : memref<1x50x64xf32, #tpu.memory_space<hbm>> -> memref<50x64xf32, #tpu.memory_space<hbm>>
        %dma_wait3A_532 = arith.constant 0 : i32
        %dma_wait3A_533 = arith.constant 0 : i32
        %dma_wait3A_534 = tpu.memref_slice %arg6[%dma_wait3A_519, %dma_wait3A_532, %dma_wait3A_533] : memref<8x50x64xf32, #tpu.memory_space<vmem>> -> memref<1x50x64xf32, #tpu.memory_space<vmem>>
        %dma_wait3A_535 = tpu.memref_squeeze %dma_wait3A_534 : memref<1x50x64xf32, #tpu.memory_space<vmem>> -> memref<50x64xf32, #tpu.memory_space<vmem>>
        tpu.wait_dma2 semaphore(%arg16 : memref<!tpu.dma_semaphore, #tpu.memory_space<semaphore_mem>>) src(%dma_wait3A_535 : memref<50x64xf32, #tpu.memory_space<vmem>>) dst(%dma_wait3A_531 : memref<50x64xf32, #tpu.memory_space<hbm>>)
      } else {
      }
      %add3A_219 = arith.constant 8 : i32
      %add3A_220 = arith.addi %add3A_213, %add3A_219 : i32
      %sub3A_221 = arith.constant 1 : i32
      %sub3A_222 = arith.subi %add3A_220, %sub3A_221 : i32
      %lt3A_223 = arith.constant 512 : i32
      %lt3A_224 = arith.cmpi slt, %sub3A_222, %lt3A_223 : i32
      %convert_element_type3A_225 = arith.extui %lt3A_224 : i1 to i32
      %cond3A_226 = arith.constant 0 : i32
      %cond3A_227 = arith.cmpi ne, %convert_element_type3A_225, %cond3A_226 : i32
      scf.if %cond3A_227 {
        %add3A_516 = arith.constant 8 : i32
        %add3A_517 = arith.addi %add3A_213, %add3A_516 : i32
        %sub3A_518 = arith.constant 1 : i32
        %sub3A_519 = arith.subi %add3A_517, %sub3A_518 : i32
        %dma_start3A_520 = arith.constant 1 : i32
        %dma_start3A_521 = arith.constant 0 : i32
        %dma_start3A_522 = arith.constant 0 : i32
        %dma_start3A_523 = tpu.memref_slice %arg6[%dma_start3A_520, %dma_start3A_521, %dma_start3A_522] : memref<8x50x64xf32, #tpu.memory_space<vmem>> -> memref<1x50x64xf32, #tpu.memory_space<vmem>>
        %dma_start3A_524 = tpu.memref_squeeze %dma_start3A_523 : memref<1x50x64xf32, #tpu.memory_space<vmem>> -> memref<50x64xf32, #tpu.memory_space<vmem>>
        %dma_start3A_525 = arith.constant 0 : i32
        %dma_start3A_526 = tpu.memref_slice %arg5[%sub3A_519, %dma_start3A_525] : memref<512x50xi32, #tpu.memory_space<vmem>> -> memref<1x50xi32, #tpu.memory_space<vmem>>
        %dma_start3A_527 = tpu.memref_squeeze %dma_start3A_526 : memref<1x50xi32, #tpu.memory_space<vmem>> -> memref<50xi32, #tpu.memory_space<vmem>>
        %dma_start3A_528 = arith.constant 0 : i32
        %dma_start3A_529 = arith.constant 0 : i32
        %dma_start3A_530 = tpu.memref_slice %arg3[%dma_start3A_528, %dma_start3A_529] : memref<1000001x64xf32, #tpu.memory_space<hbm>> -> memref<1000001x64xf32, #tpu.memory_space<hbm>>
        tpu.enqueue_indirect_dma source(%dma_start3A_530 : memref<1000001x64xf32, #tpu.memory_space<hbm>>) target(%dma_start3A_524 : memref<50x64xf32, #tpu.memory_space<vmem>>) offsets(%dma_start3A_527 : memref<50xi32, #tpu.memory_space<vmem>>) semaphore(%arg8 : memref<!tpu.dma_semaphore, #tpu.memory_space<semaphore_mem>>)
      } else {
      }
      %dma_wait3A_228 = arith.constant 2 : i32
      %dma_wait3A_229 = arith.constant 0 : i32
      %dma_wait3A_230 = arith.constant 0 : i32
      %dma_wait3A_231 = tpu.memref_slice %arg6[%dma_wait3A_228, %dma_wait3A_229, %dma_wait3A_230] : memref<8x50x64xf32, #tpu.memory_space<vmem>> -> memref<1x50x64xf32, #tpu.memory_space<vmem>>
      %dma_wait3A_232 = tpu.memref_squeeze %dma_wait3A_231 : memref<1x50x64xf32, #tpu.memory_space<vmem>> -> memref<50x64xf32, #tpu.memory_space<vmem>>
      %dma_wait3A_233 = arith.constant 0 : i32
      %dma_wait3A_234 = arith.constant 0 : i32
      %dma_wait3A_235 = tpu.memref_slice %arg3[%dma_wait3A_233, %dma_wait3A_234] : memref<1000001x64xf32, #tpu.memory_space<hbm>> -> memref<50x64xf32, #tpu.memory_space<hbm>>
      %dma_wait3A_236 = arith.constant 0 : i32
      %dma_wait3A_237 = arith.constant 0 : i32
      %dma_wait3A_238 = tpu.memref_slice %arg6[%dma_wait3A_228, %dma_wait3A_236, %dma_wait3A_237] : memref<8x50x64xf32, #tpu.memory_space<vmem>> -> memref<1x50x64xf32, #tpu.memory_space<vmem>>
      %dma_wait3A_239 = tpu.memref_squeeze %dma_wait3A_238 : memref<1x50x64xf32, #tpu.memory_space<vmem>> -> memref<50x64xf32, #tpu.memory_space<vmem>>
      %dma_wait3A_240 = arith.constant 0 : i32
      %dma_wait3A_241 = arith.constant 0 : i32
      %dma_wait3A_242 = tpu.memref_slice %arg3[%dma_wait3A_240, %dma_wait3A_241] : memref<1000001x64xf32, #tpu.memory_space<hbm>> -> memref<50x64xf32, #tpu.memory_space<hbm>>
      tpu.wait_dma2 semaphore(%arg9 : memref<!tpu.dma_semaphore, #tpu.memory_space<semaphore_mem>>) src(%dma_wait3A_242 : memref<50x64xf32, #tpu.memory_space<hbm>>) dst(%dma_wait3A_239 : memref<50x64xf32, #tpu.memory_space<vmem>>)
      %add3A_243 = arith.addi %mul3A_2, %add3A_213 : i32
      %dma_start3A_244 = arith.constant 2 : i32
      %dma_start3A_245 = arith.constant 0 : i32
      %dma_start3A_246 = arith.constant 0 : i32
      %dma_start3A_247 = tpu.memref_slice %arg6[%dma_start3A_244, %dma_start3A_245, %dma_start3A_246] : memref<8x50x64xf32, #tpu.memory_space<vmem>> -> memref<1x50x64xf32, #tpu.memory_space<vmem>>
      %dma_start3A_248 = tpu.memref_squeeze %dma_start3A_247 : memref<1x50x64xf32, #tpu.memory_space<vmem>> -> memref<50x64xf32, #tpu.memory_space<vmem>>
      %dma_start3A_249 = arith.constant 0 : i32
      %dma_start3A_250 = arith.constant 0 : i32
      %dma_start3A_251 = tpu.memref_slice %arg4[%add3A_243, %dma_start3A_249, %dma_start3A_250] : memref<16384x50x64xf32, #tpu.memory_space<hbm>> -> memref<1x50x64xf32, #tpu.memory_space<hbm>>
      %dma_start3A_252 = tpu.memref_squeeze %dma_start3A_251 : memref<1x50x64xf32, #tpu.memory_space<hbm>> -> memref<50x64xf32, #tpu.memory_space<hbm>>
      %dma_start3A_253 = arith.constant 0 : i32
      %dma_start3A_254 = arith.constant 0 : i32
      %dma_start3A_255 = tpu.memref_slice %arg4[%add3A_243, %dma_start3A_253, %dma_start3A_254] : memref<16384x50x64xf32, #tpu.memory_space<hbm>> -> memref<1x50x64xf32, #tpu.memory_space<hbm>>
      %dma_start3A_256 = tpu.memref_squeeze %dma_start3A_255 : memref<1x50x64xf32, #tpu.memory_space<hbm>> -> memref<50x64xf32, #tpu.memory_space<hbm>>
      %dma_start3A_257 = arith.constant 0 : i32
      %dma_start3A_258 = arith.constant 0 : i32
      %dma_start3A_259 = tpu.memref_slice %arg6[%dma_start3A_244, %dma_start3A_257, %dma_start3A_258] : memref<8x50x64xf32, #tpu.memory_space<vmem>> -> memref<1x50x64xf32, #tpu.memory_space<vmem>>
      %dma_start3A_260 = tpu.memref_squeeze %dma_start3A_259 : memref<1x50x64xf32, #tpu.memory_space<vmem>> -> memref<50x64xf32, #tpu.memory_space<vmem>>
      tpu.enqueue_dma source(%dma_start3A_260 : memref<50x64xf32, #tpu.memory_space<vmem>>) target(%dma_start3A_256 : memref<50x64xf32, #tpu.memory_space<hbm>>) target_semaphore(%arg17 : memref<!tpu.dma_semaphore, #tpu.memory_space<semaphore_mem>>)
      %mul3A_261 = arith.constant 8 : i32
      %mul3A_262 = arith.muli %mul3A_261, %add3A_112 : i32
      %add3A_263 = arith.constant 3 : i32
      %add3A_264 = arith.addi %mul3A_262, %add3A_263 : i32
      %ge3A_265 = arith.constant 1 : i32
      %ge3A_266 = arith.cmpi sge, %add3A_264, %ge3A_265 : i32
      %convert_element_type3A_267 = arith.extui %ge3A_266 : i1 to i32
      %cond3A_268 = arith.constant 0 : i32
      %cond3A_269 = arith.cmpi ne, %convert_element_type3A_267, %cond3A_268 : i32
      scf.if %cond3A_269 {
        %sub3A_516 = arith.constant 1 : i32
        %sub3A_517 = arith.subi %add3A_264, %sub3A_516 : i32
        %add3A_518 = arith.addi %mul3A_2, %sub3A_517 : i32
        %dma_wait3A_519 = arith.constant 2 : i32
        %dma_wait3A_520 = arith.constant 0 : i32
        %dma_wait3A_521 = arith.constant 0 : i32
        %dma_wait3A_522 = tpu.memref_slice %arg6[%dma_wait3A_519, %dma_wait3A_520, %dma_wait3A_521] : memref<8x50x64xf32, #tpu.memory_space<vmem>> -> memref<1x50x64xf32, #tpu.memory_space<vmem>>
        %dma_wait3A_523 = tpu.memref_squeeze %dma_wait3A_522 : memref<1x50x64xf32, #tpu.memory_space<vmem>> -> memref<50x64xf32, #tpu.memory_space<vmem>>
        %dma_wait3A_524 = arith.constant 0 : i32
        %dma_wait3A_525 = arith.constant 0 : i32
        %dma_wait3A_526 = tpu.memref_slice %arg4[%add3A_518, %dma_wait3A_524, %dma_wait3A_525] : memref<16384x50x64xf32, #tpu.memory_space<hbm>> -> memref<1x50x64xf32, #tpu.memory_space<hbm>>
        %dma_wait3A_527 = tpu.memref_squeeze %dma_wait3A_526 : memref<1x50x64xf32, #tpu.memory_space<hbm>> -> memref<50x64xf32, #tpu.memory_space<hbm>>
        %dma_wait3A_528 = arith.constant 0 : i32
        %dma_wait3A_529 = arith.constant 0 : i32
        %dma_wait3A_530 = tpu.memref_slice %arg4[%add3A_518, %dma_wait3A_528, %dma_wait3A_529] : memref<16384x50x64xf32, #tpu.memory_space<hbm>> -> memref<1x50x64xf32, #tpu.memory_space<hbm>>
        %dma_wait3A_531 = tpu.memref_squeeze %dma_wait3A_530 : memref<1x50x64xf32, #tpu.memory_space<hbm>> -> memref<50x64xf32, #tpu.memory_space<hbm>>
        %dma_wait3A_532 = arith.constant 0 : i32
        %dma_wait3A_533 = arith.constant 0 : i32
        %dma_wait3A_534 = tpu.memref_slice %arg6[%dma_wait3A_519, %dma_wait3A_532, %dma_wait3A_533] : memref<8x50x64xf32, #tpu.memory_space<vmem>> -> memref<1x50x64xf32, #tpu.memory_space<vmem>>
        %dma_wait3A_535 = tpu.memref_squeeze %dma_wait3A_534 : memref<1x50x64xf32, #tpu.memory_space<vmem>> -> memref<50x64xf32, #tpu.memory_space<vmem>>
        tpu.wait_dma2 semaphore(%arg17 : memref<!tpu.dma_semaphore, #tpu.memory_space<semaphore_mem>>) src(%dma_wait3A_535 : memref<50x64xf32, #tpu.memory_space<vmem>>) dst(%dma_wait3A_531 : memref<50x64xf32, #tpu.memory_space<hbm>>)
      } else {
      }
      %add3A_270 = arith.constant 8 : i32
      %add3A_271 = arith.addi %add3A_264, %add3A_270 : i32
      %sub3A_272 = arith.constant 1 : i32
      %sub3A_273 = arith.subi %add3A_271, %sub3A_272 : i32
      %lt3A_274 = arith.constant 512 : i32
      %lt3A_275 = arith.cmpi slt, %sub3A_273, %lt3A_274 : i32
      %convert_element_type3A_276 = arith.extui %lt3A_275 : i1 to i32
      %cond3A_277 = arith.constant 0 : i32
      %cond3A_278 = arith.cmpi ne, %convert_element_type3A_276, %cond3A_277 : i32
      scf.if %cond3A_278 {
        %add3A_516 = arith.constant 8 : i32
        %add3A_517 = arith.addi %add3A_264, %add3A_516 : i32
        %sub3A_518 = arith.constant 1 : i32
        %sub3A_519 = arith.subi %add3A_517, %sub3A_518 : i32
        %dma_start3A_520 = arith.constant 2 : i32
        %dma_start3A_521 = arith.constant 0 : i32
        %dma_start3A_522 = arith.constant 0 : i32
        %dma_start3A_523 = tpu.memref_slice %arg6[%dma_start3A_520, %dma_start3A_521, %dma_start3A_522] : memref<8x50x64xf32, #tpu.memory_space<vmem>> -> memref<1x50x64xf32, #tpu.memory_space<vmem>>
        %dma_start3A_524 = tpu.memref_squeeze %dma_start3A_523 : memref<1x50x64xf32, #tpu.memory_space<vmem>> -> memref<50x64xf32, #tpu.memory_space<vmem>>
        %dma_start3A_525 = arith.constant 0 : i32
        %dma_start3A_526 = tpu.memref_slice %arg5[%sub3A_519, %dma_start3A_525] : memref<512x50xi32, #tpu.memory_space<vmem>> -> memref<1x50xi32, #tpu.memory_space<vmem>>
        %dma_start3A_527 = tpu.memref_squeeze %dma_start3A_526 : memref<1x50xi32, #tpu.memory_space<vmem>> -> memref<50xi32, #tpu.memory_space<vmem>>
        %dma_start3A_528 = arith.constant 0 : i32
        %dma_start3A_529 = arith.constant 0 : i32
        %dma_start3A_530 = tpu.memref_slice %arg3[%dma_start3A_528, %dma_start3A_529] : memref<1000001x64xf32, #tpu.memory_space<hbm>> -> memref<1000001x64xf32, #tpu.memory_space<hbm>>
        tpu.enqueue_indirect_dma source(%dma_start3A_530 : memref<1000001x64xf32, #tpu.memory_space<hbm>>) target(%dma_start3A_524 : memref<50x64xf32, #tpu.memory_space<vmem>>) offsets(%dma_start3A_527 : memref<50xi32, #tpu.memory_space<vmem>>) semaphore(%arg9 : memref<!tpu.dma_semaphore, #tpu.memory_space<semaphore_mem>>)
      } else {
      }
      %dma_wait3A_279 = arith.constant 3 : i32
      %dma_wait3A_280 = arith.constant 0 : i32
      %dma_wait3A_281 = arith.constant 0 : i32
      %dma_wait3A_282 = tpu.memref_slice %arg6[%dma_wait3A_279, %dma_wait3A_280, %dma_wait3A_281] : memref<8x50x64xf32, #tpu.memory_space<vmem>> -> memref<1x50x64xf32, #tpu.memory_space<vmem>>
      %dma_wait3A_283 = tpu.memref_squeeze %dma_wait3A_282 : memref<1x50x64xf32, #tpu.memory_space<vmem>> -> memref<50x64xf32, #tpu.memory_space<vmem>>
      %dma_wait3A_284 = arith.constant 0 : i32
      %dma_wait3A_285 = arith.constant 0 : i32
      %dma_wait3A_286 = tpu.memref_slice %arg3[%dma_wait3A_284, %dma_wait3A_285] : memref<1000001x64xf32, #tpu.memory_space<hbm>> -> memref<50x64xf32, #tpu.memory_space<hbm>>
      %dma_wait3A_287 = arith.constant 0 : i32
      %dma_wait3A_288 = arith.constant 0 : i32
      %dma_wait3A_289 = tpu.memref_slice %arg6[%dma_wait3A_279, %dma_wait3A_287, %dma_wait3A_288] : memref<8x50x64xf32, #tpu.memory_space<vmem>> -> memref<1x50x64xf32, #tpu.memory_space<vmem>>
      %dma_wait3A_290 = tpu.memref_squeeze %dma_wait3A_289 : memref<1x50x64xf32, #tpu.memory_space<vmem>> -> memref<50x64xf32, #tpu.memory_space<vmem>>
      %dma_wait3A_291 = arith.constant 0 : i32
      %dma_wait3A_292 = arith.constant 0 : i32
      %dma_wait3A_293 = tpu.memref_slice %arg3[%dma_wait3A_291, %dma_wait3A_292] : memref<1000001x64xf32, #tpu.memory_space<hbm>> -> memref<50x64xf32, #tpu.memory_space<hbm>>
      tpu.wait_dma2 semaphore(%arg10 : memref<!tpu.dma_semaphore, #tpu.memory_space<semaphore_mem>>) src(%dma_wait3A_293 : memref<50x64xf32, #tpu.memory_space<hbm>>) dst(%dma_wait3A_290 : memref<50x64xf32, #tpu.memory_space<vmem>>)
      %add3A_294 = arith.addi %mul3A_2, %add3A_264 : i32
      %dma_start3A_295 = arith.constant 3 : i32
      %dma_start3A_296 = arith.constant 0 : i32
      %dma_start3A_297 = arith.constant 0 : i32
      %dma_start3A_298 = tpu.memref_slice %arg6[%dma_start3A_295, %dma_start3A_296, %dma_start3A_297] : memref<8x50x64xf32, #tpu.memory_space<vmem>> -> memref<1x50x64xf32, #tpu.memory_space<vmem>>
      %dma_start3A_299 = tpu.memref_squeeze %dma_start3A_298 : memref<1x50x64xf32, #tpu.memory_space<vmem>> -> memref<50x64xf32, #tpu.memory_space<vmem>>
      %dma_start3A_300 = arith.constant 0 : i32
      %dma_start3A_301 = arith.constant 0 : i32
      %dma_start3A_302 = tpu.memref_slice %arg4[%add3A_294, %dma_start3A_300, %dma_start3A_301] : memref<16384x50x64xf32, #tpu.memory_space<hbm>> -> memref<1x50x64xf32, #tpu.memory_space<hbm>>
      %dma_start3A_303 = tpu.memref_squeeze %dma_start3A_302 : memref<1x50x64xf32, #tpu.memory_space<hbm>> -> memref<50x64xf32, #tpu.memory_space<hbm>>
      %dma_start3A_304 = arith.constant 0 : i32
      %dma_start3A_305 = arith.constant 0 : i32
      %dma_start3A_306 = tpu.memref_slice %arg4[%add3A_294, %dma_start3A_304, %dma_start3A_305] : memref<16384x50x64xf32, #tpu.memory_space<hbm>> -> memref<1x50x64xf32, #tpu.memory_space<hbm>>
      %dma_start3A_307 = tpu.memref_squeeze %dma_start3A_306 : memref<1x50x64xf32, #tpu.memory_space<hbm>> -> memref<50x64xf32, #tpu.memory_space<hbm>>
      %dma_start3A_308 = arith.constant 0 : i32
      %dma_start3A_309 = arith.constant 0 : i32
      %dma_start3A_310 = tpu.memref_slice %arg6[%dma_start3A_295, %dma_start3A_308, %dma_start3A_309] : memref<8x50x64xf32, #tpu.memory_space<vmem>> -> memref<1x50x64xf32, #tpu.memory_space<vmem>>
      %dma_start3A_311 = tpu.memref_squeeze %dma_start3A_310 : memref<1x50x64xf32, #tpu.memory_space<vmem>> -> memref<50x64xf32, #tpu.memory_space<vmem>>
      tpu.enqueue_dma source(%dma_start3A_311 : memref<50x64xf32, #tpu.memory_space<vmem>>) target(%dma_start3A_307 : memref<50x64xf32, #tpu.memory_space<hbm>>) target_semaphore(%arg18 : memref<!tpu.dma_semaphore, #tpu.memory_space<semaphore_mem>>)
      %mul3A_312 = arith.constant 8 : i32
      %mul3A_313 = arith.muli %mul3A_312, %add3A_112 : i32
      %add3A_314 = arith.constant 4 : i32
      %add3A_315 = arith.addi %mul3A_313, %add3A_314 : i32
      %ge3A_316 = arith.constant 1 : i32
      %ge3A_317 = arith.cmpi sge, %add3A_315, %ge3A_316 : i32
      %convert_element_type3A_318 = arith.extui %ge3A_317 : i1 to i32
      %cond3A_319 = arith.constant 0 : i32
      %cond3A_320 = arith.cmpi ne, %convert_element_type3A_318, %cond3A_319 : i32
      scf.if %cond3A_320 {
        %sub3A_516 = arith.constant 1 : i32
        %sub3A_517 = arith.subi %add3A_315, %sub3A_516 : i32
        %add3A_518 = arith.addi %mul3A_2, %sub3A_517 : i32
        %dma_wait3A_519 = arith.constant 3 : i32
        %dma_wait3A_520 = arith.constant 0 : i32
        %dma_wait3A_521 = arith.constant 0 : i32
        %dma_wait3A_522 = tpu.memref_slice %arg6[%dma_wait3A_519, %dma_wait3A_520, %dma_wait3A_521] : memref<8x50x64xf32, #tpu.memory_space<vmem>> -> memref<1x50x64xf32, #tpu.memory_space<vmem>>
        %dma_wait3A_523 = tpu.memref_squeeze %dma_wait3A_522 : memref<1x50x64xf32, #tpu.memory_space<vmem>> -> memref<50x64xf32, #tpu.memory_space<vmem>>
        %dma_wait3A_524 = arith.constant 0 : i32
        %dma_wait3A_525 = arith.constant 0 : i32
        %dma_wait3A_526 = tpu.memref_slice %arg4[%add3A_518, %dma_wait3A_524, %dma_wait3A_525] : memref<16384x50x64xf32, #tpu.memory_space<hbm>> -> memref<1x50x64xf32, #tpu.memory_space<hbm>>
        %dma_wait3A_527 = tpu.memref_squeeze %dma_wait3A_526 : memref<1x50x64xf32, #tpu.memory_space<hbm>> -> memref<50x64xf32, #tpu.memory_space<hbm>>
        %dma_wait3A_528 = arith.constant 0 : i32
        %dma_wait3A_529 = arith.constant 0 : i32
        %dma_wait3A_530 = tpu.memref_slice %arg4[%add3A_518, %dma_wait3A_528, %dma_wait3A_529] : memref<16384x50x64xf32, #tpu.memory_space<hbm>> -> memref<1x50x64xf32, #tpu.memory_space<hbm>>
        %dma_wait3A_531 = tpu.memref_squeeze %dma_wait3A_530 : memref<1x50x64xf32, #tpu.memory_space<hbm>> -> memref<50x64xf32, #tpu.memory_space<hbm>>
        %dma_wait3A_532 = arith.constant 0 : i32
        %dma_wait3A_533 = arith.constant 0 : i32
        %dma_wait3A_534 = tpu.memref_slice %arg6[%dma_wait3A_519, %dma_wait3A_532, %dma_wait3A_533] : memref<8x50x64xf32, #tpu.memory_space<vmem>> -> memref<1x50x64xf32, #tpu.memory_space<vmem>>
        %dma_wait3A_535 = tpu.memref_squeeze %dma_wait3A_534 : memref<1x50x64xf32, #tpu.memory_space<vmem>> -> memref<50x64xf32, #tpu.memory_space<vmem>>
        tpu.wait_dma2 semaphore(%arg18 : memref<!tpu.dma_semaphore, #tpu.memory_space<semaphore_mem>>) src(%dma_wait3A_535 : memref<50x64xf32, #tpu.memory_space<vmem>>) dst(%dma_wait3A_531 : memref<50x64xf32, #tpu.memory_space<hbm>>)
      } else {
      }
      %add3A_321 = arith.constant 8 : i32
      %add3A_322 = arith.addi %add3A_315, %add3A_321 : i32
      %sub3A_323 = arith.constant 1 : i32
      %sub3A_324 = arith.subi %add3A_322, %sub3A_323 : i32
      %lt3A_325 = arith.constant 512 : i32
      %lt3A_326 = arith.cmpi slt, %sub3A_324, %lt3A_325 : i32
      %convert_element_type3A_327 = arith.extui %lt3A_326 : i1 to i32
      %cond3A_328 = arith.constant 0 : i32
      %cond3A_329 = arith.cmpi ne, %convert_element_type3A_327, %cond3A_328 : i32
      scf.if %cond3A_329 {
        %add3A_516 = arith.constant 8 : i32
        %add3A_517 = arith.addi %add3A_315, %add3A_516 : i32
        %sub3A_518 = arith.constant 1 : i32
        %sub3A_519 = arith.subi %add3A_517, %sub3A_518 : i32
        %dma_start3A_520 = arith.constant 3 : i32
        %dma_start3A_521 = arith.constant 0 : i32
        %dma_start3A_522 = arith.constant 0 : i32
        %dma_start3A_523 = tpu.memref_slice %arg6[%dma_start3A_520, %dma_start3A_521, %dma_start3A_522] : memref<8x50x64xf32, #tpu.memory_space<vmem>> -> memref<1x50x64xf32, #tpu.memory_space<vmem>>
        %dma_start3A_524 = tpu.memref_squeeze %dma_start3A_523 : memref<1x50x64xf32, #tpu.memory_space<vmem>> -> memref<50x64xf32, #tpu.memory_space<vmem>>
        %dma_start3A_525 = arith.constant 0 : i32
        %dma_start3A_526 = tpu.memref_slice %arg5[%sub3A_519, %dma_start3A_525] : memref<512x50xi32, #tpu.memory_space<vmem>> -> memref<1x50xi32, #tpu.memory_space<vmem>>
        %dma_start3A_527 = tpu.memref_squeeze %dma_start3A_526 : memref<1x50xi32, #tpu.memory_space<vmem>> -> memref<50xi32, #tpu.memory_space<vmem>>
        %dma_start3A_528 = arith.constant 0 : i32
        %dma_start3A_529 = arith.constant 0 : i32
        %dma_start3A_530 = tpu.memref_slice %arg3[%dma_start3A_528, %dma_start3A_529] : memref<1000001x64xf32, #tpu.memory_space<hbm>> -> memref<1000001x64xf32, #tpu.memory_space<hbm>>
        tpu.enqueue_indirect_dma source(%dma_start3A_530 : memref<1000001x64xf32, #tpu.memory_space<hbm>>) target(%dma_start3A_524 : memref<50x64xf32, #tpu.memory_space<vmem>>) offsets(%dma_start3A_527 : memref<50xi32, #tpu.memory_space<vmem>>) semaphore(%arg10 : memref<!tpu.dma_semaphore, #tpu.memory_space<semaphore_mem>>)
      } else {
      }
      %dma_wait3A_330 = arith.constant 4 : i32
      %dma_wait3A_331 = arith.constant 0 : i32
      %dma_wait3A_332 = arith.constant 0 : i32
      %dma_wait3A_333 = tpu.memref_slice %arg6[%dma_wait3A_330, %dma_wait3A_331, %dma_wait3A_332] : memref<8x50x64xf32, #tpu.memory_space<vmem>> -> memref<1x50x64xf32, #tpu.memory_space<vmem>>
      %dma_wait3A_334 = tpu.memref_squeeze %dma_wait3A_333 : memref<1x50x64xf32, #tpu.memory_space<vmem>> -> memref<50x64xf32, #tpu.memory_space<vmem>>
      %dma_wait3A_335 = arith.constant 0 : i32
      %dma_wait3A_336 = arith.constant 0 : i32
      %dma_wait3A_337 = tpu.memref_slice %arg3[%dma_wait3A_335, %dma_wait3A_336] : memref<1000001x64xf32, #tpu.memory_space<hbm>> -> memref<50x64xf32, #tpu.memory_space<hbm>>
      %dma_wait3A_338 = arith.constant 0 : i32
      %dma_wait3A_339 = arith.constant 0 : i32
      %dma_wait3A_340 = tpu.memref_slice %arg6[%dma_wait3A_330, %dma_wait3A_338, %dma_wait3A_339] : memref<8x50x64xf32, #tpu.memory_space<vmem>> -> memref<1x50x64xf32, #tpu.memory_space<vmem>>
      %dma_wait3A_341 = tpu.memref_squeeze %dma_wait3A_340 : memref<1x50x64xf32, #tpu.memory_space<vmem>> -> memref<50x64xf32, #tpu.memory_space<vmem>>
      %dma_wait3A_342 = arith.constant 0 : i32
      %dma_wait3A_343 = arith.constant 0 : i32
      %dma_wait3A_344 = tpu.memref_slice %arg3[%dma_wait3A_342, %dma_wait3A_343] : memref<1000001x64xf32, #tpu.memory_space<hbm>> -> memref<50x64xf32, #tpu.memory_space<hbm>>
      tpu.wait_dma2 semaphore(%arg11 : memref<!tpu.dma_semaphore, #tpu.memory_space<semaphore_mem>>) src(%dma_wait3A_344 : memref<50x64xf32, #tpu.memory_space<hbm>>) dst(%dma_wait3A_341 : memref<50x64xf32, #tpu.memory_space<vmem>>)
      %add3A_345 = arith.addi %mul3A_2, %add3A_315 : i32
      %dma_start3A_346 = arith.constant 4 : i32
      %dma_start3A_347 = arith.constant 0 : i32
      %dma_start3A_348 = arith.constant 0 : i32
      %dma_start3A_349 = tpu.memref_slice %arg6[%dma_start3A_346, %dma_start3A_347, %dma_start3A_348] : memref<8x50x64xf32, #tpu.memory_space<vmem>> -> memref<1x50x64xf32, #tpu.memory_space<vmem>>
      %dma_start3A_350 = tpu.memref_squeeze %dma_start3A_349 : memref<1x50x64xf32, #tpu.memory_space<vmem>> -> memref<50x64xf32, #tpu.memory_space<vmem>>
      %dma_start3A_351 = arith.constant 0 : i32
      %dma_start3A_352 = arith.constant 0 : i32
      %dma_start3A_353 = tpu.memref_slice %arg4[%add3A_345, %dma_start3A_351, %dma_start3A_352] : memref<16384x50x64xf32, #tpu.memory_space<hbm>> -> memref<1x50x64xf32, #tpu.memory_space<hbm>>
      %dma_start3A_354 = tpu.memref_squeeze %dma_start3A_353 : memref<1x50x64xf32, #tpu.memory_space<hbm>> -> memref<50x64xf32, #tpu.memory_space<hbm>>
      %dma_start3A_355 = arith.constant 0 : i32
      %dma_start3A_356 = arith.constant 0 : i32
      %dma_start3A_357 = tpu.memref_slice %arg4[%add3A_345, %dma_start3A_355, %dma_start3A_356] : memref<16384x50x64xf32, #tpu.memory_space<hbm>> -> memref<1x50x64xf32, #tpu.memory_space<hbm>>
      %dma_start3A_358 = tpu.memref_squeeze %dma_start3A_357 : memref<1x50x64xf32, #tpu.memory_space<hbm>> -> memref<50x64xf32, #tpu.memory_space<hbm>>
      %dma_start3A_359 = arith.constant 0 : i32
      %dma_start3A_360 = arith.constant 0 : i32
      %dma_start3A_361 = tpu.memref_slice %arg6[%dma_start3A_346, %dma_start3A_359, %dma_start3A_360] : memref<8x50x64xf32, #tpu.memory_space<vmem>> -> memref<1x50x64xf32, #tpu.memory_space<vmem>>
      %dma_start3A_362 = tpu.memref_squeeze %dma_start3A_361 : memref<1x50x64xf32, #tpu.memory_space<vmem>> -> memref<50x64xf32, #tpu.memory_space<vmem>>
      tpu.enqueue_dma source(%dma_start3A_362 : memref<50x64xf32, #tpu.memory_space<vmem>>) target(%dma_start3A_358 : memref<50x64xf32, #tpu.memory_space<hbm>>) target_semaphore(%arg19 : memref<!tpu.dma_semaphore, #tpu.memory_space<semaphore_mem>>)
      %mul3A_363 = arith.constant 8 : i32
      %mul3A_364 = arith.muli %mul3A_363, %add3A_112 : i32
      %add3A_365 = arith.constant 5 : i32
      %add3A_366 = arith.addi %mul3A_364, %add3A_365 : i32
      %ge3A_367 = arith.constant 1 : i32
      %ge3A_368 = arith.cmpi sge, %add3A_366, %ge3A_367 : i32
      %convert_element_type3A_369 = arith.extui %ge3A_368 : i1 to i32
      %cond3A_370 = arith.constant 0 : i32
      %cond3A_371 = arith.cmpi ne, %convert_element_type3A_369, %cond3A_370 : i32
      scf.if %cond3A_371 {
        %sub3A_516 = arith.constant 1 : i32
        %sub3A_517 = arith.subi %add3A_366, %sub3A_516 : i32
        %add3A_518 = arith.addi %mul3A_2, %sub3A_517 : i32
        %dma_wait3A_519 = arith.constant 4 : i32
        %dma_wait3A_520 = arith.constant 0 : i32
        %dma_wait3A_521 = arith.constant 0 : i32
        %dma_wait3A_522 = tpu.memref_slice %arg6[%dma_wait3A_519, %dma_wait3A_520, %dma_wait3A_521] : memref<8x50x64xf32, #tpu.memory_space<vmem>> -> memref<1x50x64xf32, #tpu.memory_space<vmem>>
        %dma_wait3A_523 = tpu.memref_squeeze %dma_wait3A_522 : memref<1x50x64xf32, #tpu.memory_space<vmem>> -> memref<50x64xf32, #tpu.memory_space<vmem>>
        %dma_wait3A_524 = arith.constant 0 : i32
        %dma_wait3A_525 = arith.constant 0 : i32
        %dma_wait3A_526 = tpu.memref_slice %arg4[%add3A_518, %dma_wait3A_524, %dma_wait3A_525] : memref<16384x50x64xf32, #tpu.memory_space<hbm>> -> memref<1x50x64xf32, #tpu.memory_space<hbm>>
        %dma_wait3A_527 = tpu.memref_squeeze %dma_wait3A_526 : memref<1x50x64xf32, #tpu.memory_space<hbm>> -> memref<50x64xf32, #tpu.memory_space<hbm>>
        %dma_wait3A_528 = arith.constant 0 : i32
        %dma_wait3A_529 = arith.constant 0 : i32
        %dma_wait3A_530 = tpu.memref_slice %arg4[%add3A_518, %dma_wait3A_528, %dma_wait3A_529] : memref<16384x50x64xf32, #tpu.memory_space<hbm>> -> memref<1x50x64xf32, #tpu.memory_space<hbm>>
        %dma_wait3A_531 = tpu.memref_squeeze %dma_wait3A_530 : memref<1x50x64xf32, #tpu.memory_space<hbm>> -> memref<50x64xf32, #tpu.memory_space<hbm>>
        %dma_wait3A_532 = arith.constant 0 : i32
        %dma_wait3A_533 = arith.constant 0 : i32
        %dma_wait3A_534 = tpu.memref_slice %arg6[%dma_wait3A_519, %dma_wait3A_532, %dma_wait3A_533] : memref<8x50x64xf32, #tpu.memory_space<vmem>> -> memref<1x50x64xf32, #tpu.memory_space<vmem>>
        %dma_wait3A_535 = tpu.memref_squeeze %dma_wait3A_534 : memref<1x50x64xf32, #tpu.memory_space<vmem>> -> memref<50x64xf32, #tpu.memory_space<vmem>>
        tpu.wait_dma2 semaphore(%arg19 : memref<!tpu.dma_semaphore, #tpu.memory_space<semaphore_mem>>) src(%dma_wait3A_535 : memref<50x64xf32, #tpu.memory_space<vmem>>) dst(%dma_wait3A_531 : memref<50x64xf32, #tpu.memory_space<hbm>>)
      } else {
      }
      %add3A_372 = arith.constant 8 : i32
      %add3A_373 = arith.addi %add3A_366, %add3A_372 : i32
      %sub3A_374 = arith.constant 1 : i32
      %sub3A_375 = arith.subi %add3A_373, %sub3A_374 : i32
      %lt3A_376 = arith.constant 512 : i32
      %lt3A_377 = arith.cmpi slt, %sub3A_375, %lt3A_376 : i32
      %convert_element_type3A_378 = arith.extui %lt3A_377 : i1 to i32
      %cond3A_379 = arith.constant 0 : i32
      %cond3A_380 = arith.cmpi ne, %convert_element_type3A_378, %cond3A_379 : i32
      scf.if %cond3A_380 {
        %add3A_516 = arith.constant 8 : i32
        %add3A_517 = arith.addi %add3A_366, %add3A_516 : i32
        %sub3A_518 = arith.constant 1 : i32
        %sub3A_519 = arith.subi %add3A_517, %sub3A_518 : i32
        %dma_start3A_520 = arith.constant 4 : i32
        %dma_start3A_521 = arith.constant 0 : i32
        %dma_start3A_522 = arith.constant 0 : i32
        %dma_start3A_523 = tpu.memref_slice %arg6[%dma_start3A_520, %dma_start3A_521, %dma_start3A_522] : memref<8x50x64xf32, #tpu.memory_space<vmem>> -> memref<1x50x64xf32, #tpu.memory_space<vmem>>
        %dma_start3A_524 = tpu.memref_squeeze %dma_start3A_523 : memref<1x50x64xf32, #tpu.memory_space<vmem>> -> memref<50x64xf32, #tpu.memory_space<vmem>>
        %dma_start3A_525 = arith.constant 0 : i32
        %dma_start3A_526 = tpu.memref_slice %arg5[%sub3A_519, %dma_start3A_525] : memref<512x50xi32, #tpu.memory_space<vmem>> -> memref<1x50xi32, #tpu.memory_space<vmem>>
        %dma_start3A_527 = tpu.memref_squeeze %dma_start3A_526 : memref<1x50xi32, #tpu.memory_space<vmem>> -> memref<50xi32, #tpu.memory_space<vmem>>
        %dma_start3A_528 = arith.constant 0 : i32
        %dma_start3A_529 = arith.constant 0 : i32
        %dma_start3A_530 = tpu.memref_slice %arg3[%dma_start3A_528, %dma_start3A_529] : memref<1000001x64xf32, #tpu.memory_space<hbm>> -> memref<1000001x64xf32, #tpu.memory_space<hbm>>
        tpu.enqueue_indirect_dma source(%dma_start3A_530 : memref<1000001x64xf32, #tpu.memory_space<hbm>>) target(%dma_start3A_524 : memref<50x64xf32, #tpu.memory_space<vmem>>) offsets(%dma_start3A_527 : memref<50xi32, #tpu.memory_space<vmem>>) semaphore(%arg11 : memref<!tpu.dma_semaphore, #tpu.memory_space<semaphore_mem>>)
      } else {
      }
      %dma_wait3A_381 = arith.constant 5 : i32
      %dma_wait3A_382 = arith.constant 0 : i32
      %dma_wait3A_383 = arith.constant 0 : i32
      %dma_wait3A_384 = tpu.memref_slice %arg6[%dma_wait3A_381, %dma_wait3A_382, %dma_wait3A_383] : memref<8x50x64xf32, #tpu.memory_space<vmem>> -> memref<1x50x64xf32, #tpu.memory_space<vmem>>
      %dma_wait3A_385 = tpu.memref_squeeze %dma_wait3A_384 : memref<1x50x64xf32, #tpu.memory_space<vmem>> -> memref<50x64xf32, #tpu.memory_space<vmem>>
      %dma_wait3A_386 = arith.constant 0 : i32
      %dma_wait3A_387 = arith.constant 0 : i32
      %dma_wait3A_388 = tpu.memref_slice %arg3[%dma_wait3A_386, %dma_wait3A_387] : memref<1000001x64xf32, #tpu.memory_space<hbm>> -> memref<50x64xf32, #tpu.memory_space<hbm>>
      %dma_wait3A_389 = arith.constant 0 : i32
      %dma_wait3A_390 = arith.constant 0 : i32
      %dma_wait3A_391 = tpu.memref_slice %arg6[%dma_wait3A_381, %dma_wait3A_389, %dma_wait3A_390] : memref<8x50x64xf32, #tpu.memory_space<vmem>> -> memref<1x50x64xf32, #tpu.memory_space<vmem>>
      %dma_wait3A_392 = tpu.memref_squeeze %dma_wait3A_391 : memref<1x50x64xf32, #tpu.memory_space<vmem>> -> memref<50x64xf32, #tpu.memory_space<vmem>>
      %dma_wait3A_393 = arith.constant 0 : i32
      %dma_wait3A_394 = arith.constant 0 : i32
      %dma_wait3A_395 = tpu.memref_slice %arg3[%dma_wait3A_393, %dma_wait3A_394] : memref<1000001x64xf32, #tpu.memory_space<hbm>> -> memref<50x64xf32, #tpu.memory_space<hbm>>
      tpu.wait_dma2 semaphore(%arg12 : memref<!tpu.dma_semaphore, #tpu.memory_space<semaphore_mem>>) src(%dma_wait3A_395 : memref<50x64xf32, #tpu.memory_space<hbm>>) dst(%dma_wait3A_392 : memref<50x64xf32, #tpu.memory_space<vmem>>)
      %add3A_396 = arith.addi %mul3A_2, %add3A_366 : i32
      %dma_start3A_397 = arith.constant 5 : i32
      %dma_start3A_398 = arith.constant 0 : i32
      %dma_start3A_399 = arith.constant 0 : i32
      %dma_start3A_400 = tpu.memref_slice %arg6[%dma_start3A_397, %dma_start3A_398, %dma_start3A_399] : memref<8x50x64xf32, #tpu.memory_space<vmem>> -> memref<1x50x64xf32, #tpu.memory_space<vmem>>
      %dma_start3A_401 = tpu.memref_squeeze %dma_start3A_400 : memref<1x50x64xf32, #tpu.memory_space<vmem>> -> memref<50x64xf32, #tpu.memory_space<vmem>>
      %dma_start3A_402 = arith.constant 0 : i32
      %dma_start3A_403 = arith.constant 0 : i32
      %dma_start3A_404 = tpu.memref_slice %arg4[%add3A_396, %dma_start3A_402, %dma_start3A_403] : memref<16384x50x64xf32, #tpu.memory_space<hbm>> -> memref<1x50x64xf32, #tpu.memory_space<hbm>>
      %dma_start3A_405 = tpu.memref_squeeze %dma_start3A_404 : memref<1x50x64xf32, #tpu.memory_space<hbm>> -> memref<50x64xf32, #tpu.memory_space<hbm>>
      %dma_start3A_406 = arith.constant 0 : i32
      %dma_start3A_407 = arith.constant 0 : i32
      %dma_start3A_408 = tpu.memref_slice %arg4[%add3A_396, %dma_start3A_406, %dma_start3A_407] : memref<16384x50x64xf32, #tpu.memory_space<hbm>> -> memref<1x50x64xf32, #tpu.memory_space<hbm>>
      %dma_start3A_409 = tpu.memref_squeeze %dma_start3A_408 : memref<1x50x64xf32, #tpu.memory_space<hbm>> -> memref<50x64xf32, #tpu.memory_space<hbm>>
      %dma_start3A_410 = arith.constant 0 : i32
      %dma_start3A_411 = arith.constant 0 : i32
      %dma_start3A_412 = tpu.memref_slice %arg6[%dma_start3A_397, %dma_start3A_410, %dma_start3A_411] : memref<8x50x64xf32, #tpu.memory_space<vmem>> -> memref<1x50x64xf32, #tpu.memory_space<vmem>>
      %dma_start3A_413 = tpu.memref_squeeze %dma_start3A_412 : memref<1x50x64xf32, #tpu.memory_space<vmem>> -> memref<50x64xf32, #tpu.memory_space<vmem>>
      tpu.enqueue_dma source(%dma_start3A_413 : memref<50x64xf32, #tpu.memory_space<vmem>>) target(%dma_start3A_409 : memref<50x64xf32, #tpu.memory_space<hbm>>) target_semaphore(%arg20 : memref<!tpu.dma_semaphore, #tpu.memory_space<semaphore_mem>>)
      %mul3A_414 = arith.constant 8 : i32
      %mul3A_415 = arith.muli %mul3A_414, %add3A_112 : i32
      %add3A_416 = arith.constant 6 : i32
      %add3A_417 = arith.addi %mul3A_415, %add3A_416 : i32
      %ge3A_418 = arith.constant 1 : i32
      %ge3A_419 = arith.cmpi sge, %add3A_417, %ge3A_418 : i32
      %convert_element_type3A_420 = arith.extui %ge3A_419 : i1 to i32
      %cond3A_421 = arith.constant 0 : i32
      %cond3A_422 = arith.cmpi ne, %convert_element_type3A_420, %cond3A_421 : i32
      scf.if %cond3A_422 {
        %sub3A_516 = arith.constant 1 : i32
        %sub3A_517 = arith.subi %add3A_417, %sub3A_516 : i32
        %add3A_518 = arith.addi %mul3A_2, %sub3A_517 : i32
        %dma_wait3A_519 = arith.constant 5 : i32
        %dma_wait3A_520 = arith.constant 0 : i32
        %dma_wait3A_521 = arith.constant 0 : i32
        %dma_wait3A_522 = tpu.memref_slice %arg6[%dma_wait3A_519, %dma_wait3A_520, %dma_wait3A_521] : memref<8x50x64xf32, #tpu.memory_space<vmem>> -> memref<1x50x64xf32, #tpu.memory_space<vmem>>
        %dma_wait3A_523 = tpu.memref_squeeze %dma_wait3A_522 : memref<1x50x64xf32, #tpu.memory_space<vmem>> -> memref<50x64xf32, #tpu.memory_space<vmem>>
        %dma_wait3A_524 = arith.constant 0 : i32
        %dma_wait3A_525 = arith.constant 0 : i32
        %dma_wait3A_526 = tpu.memref_slice %arg4[%add3A_518, %dma_wait3A_524, %dma_wait3A_525] : memref<16384x50x64xf32, #tpu.memory_space<hbm>> -> memref<1x50x64xf32, #tpu.memory_space<hbm>>
        %dma_wait3A_527 = tpu.memref_squeeze %dma_wait3A_526 : memref<1x50x64xf32, #tpu.memory_space<hbm>> -> memref<50x64xf32, #tpu.memory_space<hbm>>
        %dma_wait3A_528 = arith.constant 0 : i32
        %dma_wait3A_529 = arith.constant 0 : i32
        %dma_wait3A_530 = tpu.memref_slice %arg4[%add3A_518, %dma_wait3A_528, %dma_wait3A_529] : memref<16384x50x64xf32, #tpu.memory_space<hbm>> -> memref<1x50x64xf32, #tpu.memory_space<hbm>>
        %dma_wait3A_531 = tpu.memref_squeeze %dma_wait3A_530 : memref<1x50x64xf32, #tpu.memory_space<hbm>> -> memref<50x64xf32, #tpu.memory_space<hbm>>
        %dma_wait3A_532 = arith.constant 0 : i32
        %dma_wait3A_533 = arith.constant 0 : i32
        %dma_wait3A_534 = tpu.memref_slice %arg6[%dma_wait3A_519, %dma_wait3A_532, %dma_wait3A_533] : memref<8x50x64xf32, #tpu.memory_space<vmem>> -> memref<1x50x64xf32, #tpu.memory_space<vmem>>
        %dma_wait3A_535 = tpu.memref_squeeze %dma_wait3A_534 : memref<1x50x64xf32, #tpu.memory_space<vmem>> -> memref<50x64xf32, #tpu.memory_space<vmem>>
        tpu.wait_dma2 semaphore(%arg20 : memref<!tpu.dma_semaphore, #tpu.memory_space<semaphore_mem>>) src(%dma_wait3A_535 : memref<50x64xf32, #tpu.memory_space<vmem>>) dst(%dma_wait3A_531 : memref<50x64xf32, #tpu.memory_space<hbm>>)
      } else {
      }
      %add3A_423 = arith.constant 8 : i32
      %add3A_424 = arith.addi %add3A_417, %add3A_423 : i32
      %sub3A_425 = arith.constant 1 : i32
      %sub3A_426 = arith.subi %add3A_424, %sub3A_425 : i32
      %lt3A_427 = arith.constant 512 : i32
      %lt3A_428 = arith.cmpi slt, %sub3A_426, %lt3A_427 : i32
      %convert_element_type3A_429 = arith.extui %lt3A_428 : i1 to i32
      %cond3A_430 = arith.constant 0 : i32
      %cond3A_431 = arith.cmpi ne, %convert_element_type3A_429, %cond3A_430 : i32
      scf.if %cond3A_431 {
        %add3A_516 = arith.constant 8 : i32
        %add3A_517 = arith.addi %add3A_417, %add3A_516 : i32
        %sub3A_518 = arith.constant 1 : i32
        %sub3A_519 = arith.subi %add3A_517, %sub3A_518 : i32
        %dma_start3A_520 = arith.constant 5 : i32
        %dma_start3A_521 = arith.constant 0 : i32
        %dma_start3A_522 = arith.constant 0 : i32
        %dma_start3A_523 = tpu.memref_slice %arg6[%dma_start3A_520, %dma_start3A_521, %dma_start3A_522] : memref<8x50x64xf32, #tpu.memory_space<vmem>> -> memref<1x50x64xf32, #tpu.memory_space<vmem>>
        %dma_start3A_524 = tpu.memref_squeeze %dma_start3A_523 : memref<1x50x64xf32, #tpu.memory_space<vmem>> -> memref<50x64xf32, #tpu.memory_space<vmem>>
        %dma_start3A_525 = arith.constant 0 : i32
        %dma_start3A_526 = tpu.memref_slice %arg5[%sub3A_519, %dma_start3A_525] : memref<512x50xi32, #tpu.memory_space<vmem>> -> memref<1x50xi32, #tpu.memory_space<vmem>>
        %dma_start3A_527 = tpu.memref_squeeze %dma_start3A_526 : memref<1x50xi32, #tpu.memory_space<vmem>> -> memref<50xi32, #tpu.memory_space<vmem>>
        %dma_start3A_528 = arith.constant 0 : i32
        %dma_start3A_529 = arith.constant 0 : i32
        %dma_start3A_530 = tpu.memref_slice %arg3[%dma_start3A_528, %dma_start3A_529] : memref<1000001x64xf32, #tpu.memory_space<hbm>> -> memref<1000001x64xf32, #tpu.memory_space<hbm>>
        tpu.enqueue_indirect_dma source(%dma_start3A_530 : memref<1000001x64xf32, #tpu.memory_space<hbm>>) target(%dma_start3A_524 : memref<50x64xf32, #tpu.memory_space<vmem>>) offsets(%dma_start3A_527 : memref<50xi32, #tpu.memory_space<vmem>>) semaphore(%arg12 : memref<!tpu.dma_semaphore, #tpu.memory_space<semaphore_mem>>)
      } else {
      }
      %dma_wait3A_432 = arith.constant 6 : i32
      %dma_wait3A_433 = arith.constant 0 : i32
      %dma_wait3A_434 = arith.constant 0 : i32
      %dma_wait3A_435 = tpu.memref_slice %arg6[%dma_wait3A_432, %dma_wait3A_433, %dma_wait3A_434] : memref<8x50x64xf32, #tpu.memory_space<vmem>> -> memref<1x50x64xf32, #tpu.memory_space<vmem>>
      %dma_wait3A_436 = tpu.memref_squeeze %dma_wait3A_435 : memref<1x50x64xf32, #tpu.memory_space<vmem>> -> memref<50x64xf32, #tpu.memory_space<vmem>>
      %dma_wait3A_437 = arith.constant 0 : i32
      %dma_wait3A_438 = arith.constant 0 : i32
      %dma_wait3A_439 = tpu.memref_slice %arg3[%dma_wait3A_437, %dma_wait3A_438] : memref<1000001x64xf32, #tpu.memory_space<hbm>> -> memref<50x64xf32, #tpu.memory_space<hbm>>
      %dma_wait3A_440 = arith.constant 0 : i32
      %dma_wait3A_441 = arith.constant 0 : i32
      %dma_wait3A_442 = tpu.memref_slice %arg6[%dma_wait3A_432, %dma_wait3A_440, %dma_wait3A_441] : memref<8x50x64xf32, #tpu.memory_space<vmem>> -> memref<1x50x64xf32, #tpu.memory_space<vmem>>
      %dma_wait3A_443 = tpu.memref_squeeze %dma_wait3A_442 : memref<1x50x64xf32, #tpu.memory_space<vmem>> -> memref<50x64xf32, #tpu.memory_space<vmem>>
      %dma_wait3A_444 = arith.constant 0 : i32
      %dma_wait3A_445 = arith.constant 0 : i32
      %dma_wait3A_446 = tpu.memref_slice %arg3[%dma_wait3A_444, %dma_wait3A_445] : memref<1000001x64xf32, #tpu.memory_space<hbm>> -> memref<50x64xf32, #tpu.memory_space<hbm>>
      tpu.wait_dma2 semaphore(%arg13 : memref<!tpu.dma_semaphore, #tpu.memory_space<semaphore_mem>>) src(%dma_wait3A_446 : memref<50x64xf32, #tpu.memory_space<hbm>>) dst(%dma_wait3A_443 : memref<50x64xf32, #tpu.memory_space<vmem>>)
      %add3A_447 = arith.addi %mul3A_2, %add3A_417 : i32
      %dma_start3A_448 = arith.constant 6 : i32
      %dma_start3A_449 = arith.constant 0 : i32
      %dma_start3A_450 = arith.constant 0 : i32
      %dma_start3A_451 = tpu.memref_slice %arg6[%dma_start3A_448, %dma_start3A_449, %dma_start3A_450] : memref<8x50x64xf32, #tpu.memory_space<vmem>> -> memref<1x50x64xf32, #tpu.memory_space<vmem>>
      %dma_start3A_452 = tpu.memref_squeeze %dma_start3A_451 : memref<1x50x64xf32, #tpu.memory_space<vmem>> -> memref<50x64xf32, #tpu.memory_space<vmem>>
      %dma_start3A_453 = arith.constant 0 : i32
      %dma_start3A_454 = arith.constant 0 : i32
      %dma_start3A_455 = tpu.memref_slice %arg4[%add3A_447, %dma_start3A_453, %dma_start3A_454] : memref<16384x50x64xf32, #tpu.memory_space<hbm>> -> memref<1x50x64xf32, #tpu.memory_space<hbm>>
      %dma_start3A_456 = tpu.memref_squeeze %dma_start3A_455 : memref<1x50x64xf32, #tpu.memory_space<hbm>> -> memref<50x64xf32, #tpu.memory_space<hbm>>
      %dma_start3A_457 = arith.constant 0 : i32
      %dma_start3A_458 = arith.constant 0 : i32
      %dma_start3A_459 = tpu.memref_slice %arg4[%add3A_447, %dma_start3A_457, %dma_start3A_458] : memref<16384x50x64xf32, #tpu.memory_space<hbm>> -> memref<1x50x64xf32, #tpu.memory_space<hbm>>
      %dma_start3A_460 = tpu.memref_squeeze %dma_start3A_459 : memref<1x50x64xf32, #tpu.memory_space<hbm>> -> memref<50x64xf32, #tpu.memory_space<hbm>>
      %dma_start3A_461 = arith.constant 0 : i32
      %dma_start3A_462 = arith.constant 0 : i32
      %dma_start3A_463 = tpu.memref_slice %arg6[%dma_start3A_448, %dma_start3A_461, %dma_start3A_462] : memref<8x50x64xf32, #tpu.memory_space<vmem>> -> memref<1x50x64xf32, #tpu.memory_space<vmem>>
      %dma_start3A_464 = tpu.memref_squeeze %dma_start3A_463 : memref<1x50x64xf32, #tpu.memory_space<vmem>> -> memref<50x64xf32, #tpu.memory_space<vmem>>
      tpu.enqueue_dma source(%dma_start3A_464 : memref<50x64xf32, #tpu.memory_space<vmem>>) target(%dma_start3A_460 : memref<50x64xf32, #tpu.memory_space<hbm>>) target_semaphore(%arg21 : memref<!tpu.dma_semaphore, #tpu.memory_space<semaphore_mem>>)
      %mul3A_465 = arith.constant 8 : i32
      %mul3A_466 = arith.muli %mul3A_465, %add3A_112 : i32
      %add3A_467 = arith.constant 7 : i32
      %add3A_468 = arith.addi %mul3A_466, %add3A_467 : i32
      %ge3A_469 = arith.constant 1 : i32
      %ge3A_470 = arith.cmpi sge, %add3A_468, %ge3A_469 : i32
      %convert_element_type3A_471 = arith.extui %ge3A_470 : i1 to i32
      %cond3A_472 = arith.constant 0 : i32
      %cond3A_473 = arith.cmpi ne, %convert_element_type3A_471, %cond3A_472 : i32
      scf.if %cond3A_473 {
        %sub3A_516 = arith.constant 1 : i32
        %sub3A_517 = arith.subi %add3A_468, %sub3A_516 : i32
        %add3A_518 = arith.addi %mul3A_2, %sub3A_517 : i32
        %dma_wait3A_519 = arith.constant 6 : i32
        %dma_wait3A_520 = arith.constant 0 : i32
        %dma_wait3A_521 = arith.constant 0 : i32
        %dma_wait3A_522 = tpu.memref_slice %arg6[%dma_wait3A_519, %dma_wait3A_520, %dma_wait3A_521] : memref<8x50x64xf32, #tpu.memory_space<vmem>> -> memref<1x50x64xf32, #tpu.memory_space<vmem>>
        %dma_wait3A_523 = tpu.memref_squeeze %dma_wait3A_522 : memref<1x50x64xf32, #tpu.memory_space<vmem>> -> memref<50x64xf32, #tpu.memory_space<vmem>>
        %dma_wait3A_524 = arith.constant 0 : i32
        %dma_wait3A_525 = arith.constant 0 : i32
        %dma_wait3A_526 = tpu.memref_slice %arg4[%add3A_518, %dma_wait3A_524, %dma_wait3A_525] : memref<16384x50x64xf32, #tpu.memory_space<hbm>> -> memref<1x50x64xf32, #tpu.memory_space<hbm>>
        %dma_wait3A_527 = tpu.memref_squeeze %dma_wait3A_526 : memref<1x50x64xf32, #tpu.memory_space<hbm>> -> memref<50x64xf32, #tpu.memory_space<hbm>>
        %dma_wait3A_528 = arith.constant 0 : i32
        %dma_wait3A_529 = arith.constant 0 : i32
        %dma_wait3A_530 = tpu.memref_slice %arg4[%add3A_518, %dma_wait3A_528, %dma_wait3A_529] : memref<16384x50x64xf32, #tpu.memory_space<hbm>> -> memref<1x50x64xf32, #tpu.memory_space<hbm>>
        %dma_wait3A_531 = tpu.memref_squeeze %dma_wait3A_530 : memref<1x50x64xf32, #tpu.memory_space<hbm>> -> memref<50x64xf32, #tpu.memory_space<hbm>>
        %dma_wait3A_532 = arith.constant 0 : i32
        %dma_wait3A_533 = arith.constant 0 : i32
        %dma_wait3A_534 = tpu.memref_slice %arg6[%dma_wait3A_519, %dma_wait3A_532, %dma_wait3A_533] : memref<8x50x64xf32, #tpu.memory_space<vmem>> -> memref<1x50x64xf32, #tpu.memory_space<vmem>>
        %dma_wait3A_535 = tpu.memref_squeeze %dma_wait3A_534 : memref<1x50x64xf32, #tpu.memory_space<vmem>> -> memref<50x64xf32, #tpu.memory_space<vmem>>
        tpu.wait_dma2 semaphore(%arg21 : memref<!tpu.dma_semaphore, #tpu.memory_space<semaphore_mem>>) src(%dma_wait3A_535 : memref<50x64xf32, #tpu.memory_space<vmem>>) dst(%dma_wait3A_531 : memref<50x64xf32, #tpu.memory_space<hbm>>)
      } else {
      }
      %add3A_474 = arith.constant 8 : i32
      %add3A_475 = arith.addi %add3A_468, %add3A_474 : i32
      %sub3A_476 = arith.constant 1 : i32
      %sub3A_477 = arith.subi %add3A_475, %sub3A_476 : i32
      %lt3A_478 = arith.constant 512 : i32
      %lt3A_479 = arith.cmpi slt, %sub3A_477, %lt3A_478 : i32
      %convert_element_type3A_480 = arith.extui %lt3A_479 : i1 to i32
      %cond3A_481 = arith.constant 0 : i32
      %cond3A_482 = arith.cmpi ne, %convert_element_type3A_480, %cond3A_481 : i32
      scf.if %cond3A_482 {
        %add3A_516 = arith.constant 8 : i32
        %add3A_517 = arith.addi %add3A_468, %add3A_516 : i32
        %sub3A_518 = arith.constant 1 : i32
        %sub3A_519 = arith.subi %add3A_517, %sub3A_518 : i32
        %dma_start3A_520 = arith.constant 6 : i32
        %dma_start3A_521 = arith.constant 0 : i32
        %dma_start3A_522 = arith.constant 0 : i32
        %dma_start3A_523 = tpu.memref_slice %arg6[%dma_start3A_520, %dma_start3A_521, %dma_start3A_522] : memref<8x50x64xf32, #tpu.memory_space<vmem>> -> memref<1x50x64xf32, #tpu.memory_space<vmem>>
        %dma_start3A_524 = tpu.memref_squeeze %dma_start3A_523 : memref<1x50x64xf32, #tpu.memory_space<vmem>> -> memref<50x64xf32, #tpu.memory_space<vmem>>
        %dma_start3A_525 = arith.constant 0 : i32
        %dma_start3A_526 = tpu.memref_slice %arg5[%sub3A_519, %dma_start3A_525] : memref<512x50xi32, #tpu.memory_space<vmem>> -> memref<1x50xi32, #tpu.memory_space<vmem>>
        %dma_start3A_527 = tpu.memref_squeeze %dma_start3A_526 : memref<1x50xi32, #tpu.memory_space<vmem>> -> memref<50xi32, #tpu.memory_space<vmem>>
        %dma_start3A_528 = arith.constant 0 : i32
        %dma_start3A_529 = arith.constant 0 : i32
        %dma_start3A_530 = tpu.memref_slice %arg3[%dma_start3A_528, %dma_start3A_529] : memref<1000001x64xf32, #tpu.memory_space<hbm>> -> memref<1000001x64xf32, #tpu.memory_space<hbm>>
        tpu.enqueue_indirect_dma source(%dma_start3A_530 : memref<1000001x64xf32, #tpu.memory_space<hbm>>) target(%dma_start3A_524 : memref<50x64xf32, #tpu.memory_space<vmem>>) offsets(%dma_start3A_527 : memref<50xi32, #tpu.memory_space<vmem>>) semaphore(%arg13 : memref<!tpu.dma_semaphore, #tpu.memory_space<semaphore_mem>>)
      } else {
      }
      %dma_wait3A_483 = arith.constant 7 : i32
      %dma_wait3A_484 = arith.constant 0 : i32
      %dma_wait3A_485 = arith.constant 0 : i32
      %dma_wait3A_486 = tpu.memref_slice %arg6[%dma_wait3A_483, %dma_wait3A_484, %dma_wait3A_485] : memref<8x50x64xf32, #tpu.memory_space<vmem>> -> memref<1x50x64xf32, #tpu.memory_space<vmem>>
      %dma_wait3A_487 = tpu.memref_squeeze %dma_wait3A_486 : memref<1x50x64xf32, #tpu.memory_space<vmem>> -> memref<50x64xf32, #tpu.memory_space<vmem>>
      %dma_wait3A_488 = arith.constant 0 : i32
      %dma_wait3A_489 = arith.constant 0 : i32
      %dma_wait3A_490 = tpu.memref_slice %arg3[%dma_wait3A_488, %dma_wait3A_489] : memref<1000001x64xf32, #tpu.memory_space<hbm>> -> memref<50x64xf32, #tpu.memory_space<hbm>>
      %dma_wait3A_491 = arith.constant 0 : i32
      %dma_wait3A_492 = arith.constant 0 : i32
      %dma_wait3A_493 = tpu.memref_slice %arg6[%dma_wait3A_483, %dma_wait3A_491, %dma_wait3A_492] : memref<8x50x64xf32, #tpu.memory_space<vmem>> -> memref<1x50x64xf32, #tpu.memory_space<vmem>>
      %dma_wait3A_494 = tpu.memref_squeeze %dma_wait3A_493 : memref<1x50x64xf32, #tpu.memory_space<vmem>> -> memref<50x64xf32, #tpu.memory_space<vmem>>
      %dma_wait3A_495 = arith.constant 0 : i32
      %dma_wait3A_496 = arith.constant 0 : i32
      %dma_wait3A_497 = tpu.memref_slice %arg3[%dma_wait3A_495, %dma_wait3A_496] : memref<1000001x64xf32, #tpu.memory_space<hbm>> -> memref<50x64xf32, #tpu.memory_space<hbm>>
      tpu.wait_dma2 semaphore(%arg14 : memref<!tpu.dma_semaphore, #tpu.memory_space<semaphore_mem>>) src(%dma_wait3A_497 : memref<50x64xf32, #tpu.memory_space<hbm>>) dst(%dma_wait3A_494 : memref<50x64xf32, #tpu.memory_space<vmem>>)
      %add3A_498 = arith.addi %mul3A_2, %add3A_468 : i32
      %dma_start3A_499 = arith.constant 7 : i32
      %dma_start3A_500 = arith.constant 0 : i32
      %dma_start3A_501 = arith.constant 0 : i32
      %dma_start3A_502 = tpu.memref_slice %arg6[%dma_start3A_499, %dma_start3A_500, %dma_start3A_501] : memref<8x50x64xf32, #tpu.memory_space<vmem>> -> memref<1x50x64xf32, #tpu.memory_space<vmem>>
      %dma_start3A_503 = tpu.memref_squeeze %dma_start3A_502 : memref<1x50x64xf32, #tpu.memory_space<vmem>> -> memref<50x64xf32, #tpu.memory_space<vmem>>
      %dma_start3A_504 = arith.constant 0 : i32
      %dma_start3A_505 = arith.constant 0 : i32
      %dma_start3A_506 = tpu.memref_slice %arg4[%add3A_498, %dma_start3A_504, %dma_start3A_505] : memref<16384x50x64xf32, #tpu.memory_space<hbm>> -> memref<1x50x64xf32, #tpu.memory_space<hbm>>
      %dma_start3A_507 = tpu.memref_squeeze %dma_start3A_506 : memref<1x50x64xf32, #tpu.memory_space<hbm>> -> memref<50x64xf32, #tpu.memory_space<hbm>>
      %dma_start3A_508 = arith.constant 0 : i32
      %dma_start3A_509 = arith.constant 0 : i32
      %dma_start3A_510 = tpu.memref_slice %arg4[%add3A_498, %dma_start3A_508, %dma_start3A_509] : memref<16384x50x64xf32, #tpu.memory_space<hbm>> -> memref<1x50x64xf32, #tpu.memory_space<hbm>>
      %dma_start3A_511 = tpu.memref_squeeze %dma_start3A_510 : memref<1x50x64xf32, #tpu.memory_space<hbm>> -> memref<50x64xf32, #tpu.memory_space<hbm>>
      %dma_start3A_512 = arith.constant 0 : i32
      %dma_start3A_513 = arith.constant 0 : i32
      %dma_start3A_514 = tpu.memref_slice %arg6[%dma_start3A_499, %dma_start3A_512, %dma_start3A_513] : memref<8x50x64xf32, #tpu.memory_space<vmem>> -> memref<1x50x64xf32, #tpu.memory_space<vmem>>
      %dma_start3A_515 = tpu.memref_squeeze %dma_start3A_514 : memref<1x50x64xf32, #tpu.memory_space<vmem>> -> memref<50x64xf32, #tpu.memory_space<vmem>>
      tpu.enqueue_dma source(%dma_start3A_515 : memref<50x64xf32, #tpu.memory_space<vmem>>) target(%dma_start3A_511 : memref<50x64xf32, #tpu.memory_space<hbm>>) target_semaphore(%arg22 : memref<!tpu.dma_semaphore, #tpu.memory_space<semaphore_mem>>)
    }
    %scan3A_89 = arith.constant 64 : i32
    %add3A_90 = arith.constant 511 : i32
    %add3A_91 = arith.addi %mul3A_2, %add3A_90 : i32
    %dma_wait3A = arith.constant 7 : i32
    %dma_wait3A_92 = arith.constant 0 : i32
    %dma_wait3A_93 = arith.constant 0 : i32
    %dma_wait3A_94 = tpu.memref_slice %arg6[%dma_wait3A, %dma_wait3A_92, %dma_wait3A_93] : memref<8x50x64xf32, #tpu.memory_space<vmem>> -> memref<1x50x64xf32, #tpu.memory_space<vmem>>
    %dma_wait3A_95 = tpu.memref_squeeze %dma_wait3A_94 : memref<1x50x64xf32, #tpu.memory_space<vmem>> -> memref<50x64xf32, #tpu.memory_space<vmem>>
    %dma_wait3A_96 = arith.constant 0 : i32
    %dma_wait3A_97 = arith.constant 0 : i32
    %dma_wait3A_98 = tpu.memref_slice %arg4[%add3A_91, %dma_wait3A_96, %dma_wait3A_97] : memref<16384x50x64xf32, #tpu.memory_space<hbm>> -> memref<1x50x64xf32, #tpu.memory_space<hbm>>
    %dma_wait3A_99 = tpu.memref_squeeze %dma_wait3A_98 : memref<1x50x64xf32, #tpu.memory_space<hbm>> -> memref<50x64xf32, #tpu.memory_space<hbm>>
    %dma_wait3A_100 = arith.constant 0 : i32
    %dma_wait3A_101 = arith.constant 0 : i32
    %dma_wait3A_102 = tpu.memref_slice %arg4[%add3A_91, %dma_wait3A_100, %dma_wait3A_101] : memref<16384x50x64xf32, #tpu.memory_space<hbm>> -> memref<1x50x64xf32, #tpu.memory_space<hbm>>
    %dma_wait3A_103 = tpu.memref_squeeze %dma_wait3A_102 : memref<1x50x64xf32, #tpu.memory_space<hbm>> -> memref<50x64xf32, #tpu.memory_space<hbm>>
    %dma_wait3A_104 = arith.constant 0 : i32
    %dma_wait3A_105 = arith.constant 0 : i32
    %dma_wait3A_106 = tpu.memref_slice %arg6[%dma_wait3A, %dma_wait3A_104, %dma_wait3A_105] : memref<8x50x64xf32, #tpu.memory_space<vmem>> -> memref<1x50x64xf32, #tpu.memory_space<vmem>>
    %dma_wait3A_107 = tpu.memref_squeeze %dma_wait3A_106 : memref<1x50x64xf32, #tpu.memory_space<vmem>> -> memref<50x64xf32, #tpu.memory_space<vmem>>
    tpu.wait_dma2 semaphore(%arg22 : memref<!tpu.dma_semaphore, #tpu.memory_space<semaphore_mem>>) src(%dma_wait3A_107 : memref<50x64xf32, #tpu.memory_space<vmem>>) dst(%dma_wait3A_103 : memref<50x64xf32, #tpu.memory_space<hbm>>)
    return
  }
}

</mosaic_0001>

<sc_bundles>
// kernel: _emb.3.cloned.1.call-start
scs
__scs_entry_jumppad:
0x0: {  	(pc) =	sbr.rel $0x88, $3  }
0x1: {  	(tag) =	ssettag $0x0;
	lr =	simm.s32 $0x1  }
0x2: {  	[smem:$0x3F9F] =	sst lr;
	_ =	strace $0xD0000000  }
0x3: {  	_ = 	snop  }
0x4: {  	_ = 	snop  }
0x5: {  	_ = 	snop  }
0x6: {  	_ = 	snop  }
0x7: {  	_ = 	snop  }
__scs_overlays_trampoline_lowered:
0x8: {  	[smem:$0x3FAE] =	sst s0  }
0x9: {  	[smem:$0x3FAF] =	sst s1  }
0xa: {  	[smem:$0x3FB0] =	sst s2  }
0xb: {  	[smem:$0x3FB1] =	sst s3  }
0xc: {  	[smem:$0x3FB2] =	sst s4  }
0xd: {  	[smem:$0x3FB3] =	sst s5  }
0xe: {  	[smem:$0x3FB4] =	sst s6  }
0xf: {  	[smem:$0x3FB5] =	sst s7  }
0x10: {  	[smem:$0x3FB6] =	sst s8  }
0x11: {  	[smem:$0x3FB7] =	sst s9;
	s0 =	simm.s32 @!p0 $0x0  }
0x12: {  	s1 =	sld [smem:$0x3F9D];
	s0 =	simm.s32 @p0 $0x1  }
0x13: {  	[smem:$0x3FB8] =	sst s0;
	s0 =	simm.s32 @!p1 $0x0  }
0x14: {  	s2 =	sld [smem:$0x3F9C];
	s0 =	simm.s32 @p1 $0x1  }
0x15: {  	[smem:$0x3FB9] =	sst s0;
	s0 =	simm.s32 @!p2 $0x0  }
0x16: {  	s3 =	sld [smem:$0x3FDB];
	s0 =	simm.s32 @p2 $0x1  }
0x17: {  	s4 =	simm.s32 $0x1BF5;
	[smem:$0x3FBB] =	sst s0  }
0x18: {  	s0 =	sld [smem:$0x3F9E];
	_ =	swait.ge [sflag:s4], $0x0  }
0x19: {  	s7 =	sld [smem:$0x3F9F]  }
0x1a: {  	s8 =	sadd.s32 $0xFFFFE003, lr  }
0x1b: {  	s9 =	sadd.s32 $0xFFFFFEF7, lr;
	s5 =	simm.s32 $0xFFFFFFFF;
	p2 =	slt.u32 s8, $0xFFFFF086  }
0x1c: {  	p1 =	slt.u32 s9, $0xF7A;
	s5 =	simm.s32 @!p2 $0x0  }
0x1d: {  	s5 =	simm.s32 @p1 $0x1;
	p0 =	seq.s32 s7, s2  }
0x1e: {  	s7 =	smul.u32 @!p0 $0xF7A, s2;
	p2 =	seq.s32 @!p0 s5, $0x0  }
0x1f: {  	s9 =	smul.u32 $0xF7A, s1;
	s8 =	simm.s32 @!p0 $0x1BF5;
	p2 =	por !p2, p0  }
0x20: {  	[sflag:s8] =	ssyncset.s32 @!p0 $0xFFFFF086;
	s6 =	sadd.s32 @!p0 s3, s7;
	s7 =	simm.s32 @!p0 $0x108  }
0x21: {  	s3 =	sadd.s32 s3, s9;
	s6 =	sadd.s32 @!p0 $0x88, s6;
	s7 =	simm.s32 @p2 $0x1082  }
0x22: {  	[simem:s7], [sflag:s8] =	dma.local @!p0 [hbm:s6], $0xF7A  }
0x23: {  	s9 =	sor.u32 $0xD0000000, s2;
	s6 =	simm.s32 $0x108;
	_ =	swait.ge @!p0 [sflag:s8], $0x0  }
0x24: {  	s3 =	sadd.s32 $0x88, s3;
	s6 =	simm.s32 @!p1 $0x1082;
	[sflag:s4] =	ssyncset.s32 $0xFFFFF086  }
0x25: {  	[simem:s6], [sflag:s4] =	dma.local [hbm:s3], $0xF7A  }
0x26: {  	[smem:$0x3F9F] =	sst s1;
	(tag) =	ssettag s2;
	_ =	strace s9  }
0x27: {  	s1 =	sld [smem:$0x3FAF]  }
0x28: {  	s2 =	sld [smem:$0x3FB0]  }
0x29: {  	s4 =	sld [smem:$0x3FB2]  }
0x2a: {  	p0 =	seq.s32 s5, $0x0;
	s5 =	sld [smem:$0x3FB3]  }
0x2b: {  	s6 =	sld [smem:$0x3FB4]  }
0x2c: {  	s7 =	sld [smem:$0x3FB5]  }
0x2d: {  	s3 =	simm.s32 $0x108;
	s8 =	sld [smem:$0x3FB6]  }
0x2e: {  	s3 =	simm.s32 @!p0 $0x1082;
	s9 =	sld [smem:$0x3FB7]  }
0x2f: {  	lr =	sadd.s32 s0, s3;
	s0 =	sld [smem:$0x3FAE]  }
0x30: {  	s3 =	sld [smem:$0x3FB1]  }
0x31: {  	[smem:$0x3FBA] =	sst s10  }
0x32: {  	s10 =	sld [smem:$0x3FB8];
	_ =	sdelay $0x3  }
0x33: {  	p0 =	seq.s32 s10, $0x1;
	s10 =	sld [smem:$0x3FBA];
	_ =	sdelay $0x3  }
0x34: {  	[smem:$0x3FBA] =	sst s10  }
0x35: {  	s10 =	sld [smem:$0x3FB9];
	_ =	sdelay $0x3  }
0x36: {  	p1 =	seq.s32 s10, $0x1;
	s10 =	sld [smem:$0x3FBA];
	_ =	sdelay $0x3  }
0x37: {  	[smem:$0x3FBA] =	sst s10  }
0x38: {  	s10 =	sld [smem:$0x3FBB]  }
0x39: {  	_ = 	snop;
	(pc) =	sbr.ind lr, $3  }
0x3a: {  	_ = 	snop  }
0x3b: {  	_ = 	snop  }
0x3c: {  	p2 =	seq.s32 s10, $0x1;
	s10 =	sld [smem:$0x3FBA]  }
0x3d: {  	_ =	shalt  }
0x3e: {  	_ =	shalt  }
0x3f: {  	_ =	shalt  }
0x40: {  	_ =	shalt  }
0x41: {  	_ =	shalt  }
0x42: {  	_ =	shalt  }
0x43: {  	_ =	shalt  }
0x44: {  	_ =	shalt  }
0x45: {  	_ =	shalt  }
0x46: {  	_ =	shalt  }
0x47: {  	_ =	shalt  }
0x48: {  	_ =	shalt  }
0x49: {  	_ =	shalt  }
0x4a: {  	_ =	shalt  }
0x4b: {  	_ =	shalt  }
0x4c: {  	_ =	shalt  }
0x4d: {  	_ =	shalt  }
0x4e: {  	_ =	shalt  }
0x4f: {  	_ =	shalt  }
0x50: {  	_ =	shalt  }
0x51: {  	_ =	shalt  }
0x52: {  	_ =	shalt  }
0x53: {  	_ =	shalt  }
0x54: {  	_ =	shalt  }
0x55: {  	_ =	shalt  }
0x56: {  	_ =	shalt  }
0x57: {  	_ =	shalt  }
0x58: {  	_ =	shalt  }
0x59: {  	_ =	shalt  }
0x5a: {  	_ =	shalt  }
0x5b: {  	_ =	shalt  }
0x5c: {  	_ =	shalt  }
0x5d: {  	_ =	shalt  }
0x5e: {  	_ =	shalt  }
0x5f: {  	_ =	shalt  }
0x60: {  	_ =	shalt  }
0x61: {  	_ =	shalt  }
0x62: {  	_ =	shalt  }
0x63: {  	_ =	shalt  }
0x64: {  	_ =	shalt  }
0x65: {  	_ =	shalt  }
0x66: {  	_ =	shalt  }
0x67: {  	_ =	shalt  }
0x68: {  	_ =	shalt  }
0x69: {  	_ =	shalt  }
0x6a: {  	_ =	shalt  }
0x6b: {  	_ =	shalt  }
0x6c: {  	_ =	shalt  }
0x6d: {  	_ =	shalt  }
0x6e: {  	_ =	shalt  }
0x6f: {  	_ =	shalt  }
0x70: {  	_ =	shalt  }
0x71: {  	_ =	shalt  }
0x72: {  	_ =	shalt  }
0x73: {  	_ =	shalt  }
0x74: {  	_ =	shalt  }
0x75: {  	_ =	shalt  }
0x76: {  	_ =	shalt  }
0x77: {  	_ =	shalt  }
0x78: {  	_ =	shalt  }
0x79: {  	_ =	shalt  }
0x7a: {  	_ =	shalt  }
0x7b: {  	_ =	shalt  }
0x7c: {  	_ =	shalt  }
0x7d: {  	_ =	shalt  }
0x7e: {  	_ =	shalt  }
0x7f: {  	_ =	shalt  }
0x80: {  	_ =	shalt  }
0x81: {  	_ =	shalt  }
0x82: {  	_ =	shalt  }
0x83: {  	_ =	shalt  }
0x84: {  	_ =	shalt  }
0x85: {  	_ =	shalt  }
0x86: {  	_ =	shalt  }
0x87: {  	_ =	shalt  }
.Lfunc_end0:
.L_simem_size_0:
called_computation.1_lowered:
.L_overlay_start_0:
0x88: {  	s2 =	sld [smem:$0x3FD9]  }
0x89: {  	s3 =	sld [smem:$0x3FFE];
	_ =	sdelay $0x1  }
0x8a: {  	s1 =	srdreg.scid  }
0x8b: {  	s0 =	sand.u32 $0x1, s1  }
0x8c: {  	s17 =	sshll.u32 s0, $0xA;
	s2 =	sadd.s32 s3, s2  }
0x8d: {  	s2 =	sadd.s32 s2, s17  }
0x8e: {  	[smem:$0x3FC6] =	sst s2  }
0x8f: {  	_ = 	snop  }
0x90: {  	s2 =	sld [smem:$0x3FD0];
	(tm) =	ssettm $0x1  }
0x91: {  	s18 =	sld [smem:$0x3FFB];
	_ =	sdelay $0x3  }
0x92: {  	_ =	strace s18  }
0x93: {  	s3 =	sld [smem:$0x3FFC];
	_ =	sdelay $0x3  }
0x94: {  	_ =	strace s3  }
0x95: {  	s3 =	sld [smem:$0x3FFD];
	_ =	sdelay $0x3  }
0x96: {  	_ =	strace s3  }
0x97: {  	_ =	strace $0x8FFFFFFF  }
0x98: {  	s19 =	sld [smem:$0x3FDB];
	_ =	sdelay $0x1  }
0x99: {  	s4 =	simm.s32 $_scs_section_size  }
0x9a: {  	s5 =	simm.s32 $_size__tile_overlayer_lowered;
	s6 =	simm.s32 $_tile_overlayer_lowered  }
0x9b: {  	s22 =	simm.s32 $0x1BFF;
	s21 =	sshll.u32 s6, $0x1;
	s3 =	sadd.s32 s4, s19  }
0x9c: {  	s7 =	simm.s32 $0x0;
	s20 =	sshll.u32 s5, $0x1;
	s5 =	sadd.s32 s21, s3  }
0x9d: {  	[timem:s7], [sflag:s22] =	dma.local [hbm:s5], s20  }
0x9e: {  	_ =	swait.ge [sflag:s22], s20  }
0x9f: {  	s4 =	ssub.s32 $0x0, s20;
	[sflag:s22] =	ssyncset.done $0x0  }
0xa0: {  	[sflag:s22] =	ssyncadd.s32 s4;
	_ =	sdelay $0x1  }
0xa1: {  	s23 =	simm.s32 $0x1B8B  }
0xa2: {  	_ =	swait.ge [sflag:s23], $0x1  }
0xa3: {  	[sflag:s23] =	ssyncset.done $0x0  }
0xa4: {  	s25 =	simm.s32 $0x1B8E;
	s24 =	sld [smem:$0x3FFE];
	[sflag:s23] =	ssyncadd.s32 $0xFFFFFFFF  }
0xa5: {  	s26 =	simm.s32 $execute0_lowered;
	[smem:$0x3FD2] =	sst s25  }
0xa6: {  	s5 =	sshll.u32 s26, $0x1;
	_ =	strace $0x80000046;
	[dreg:$0x1] =	wrdreg $0xFFFFFFFF  }
0xa7: {  	s28 =	simm.s32 $_size_execute0_lowered;
	s3 =	sadd.s32 s3, s5;
	[dreg:$0x0] =	wrdreg $0x0  }
0xa8: {  	s5 =	sshll.u32 s28, $0x1;
	[dreg:$0x2] =	wrdreg s3  }
0xa9: {  	[dreg:$0x3] =	wrdreg s5  }
0xaa: {  	[dreg:$0x4] =	wrdreg $0xC0  }
0xab: {  	_ =	task [dreg:s7], $0x5FFFF  }
0xac: {  	[dreg:$0x1] =	wrdreg $0xFFFFFFFF  }
0xad: {  	[dreg:$0x0] =	wrdreg $0x60  }
0xae: {  	[dreg:$0x2] =	wrdreg s24  }
0xaf: {  	[dreg:$0x3] =	wrdreg s2  }
0xb0: {  	[dreg:$0x4] =	wrdreg $0x9  }
0xb1: {  	_ =	task.clear_ibuf [dreg:s7], $0x5FFFF;
	_ =	strace $0x90000046  }
0xb2: {  	s29 =	simm.s32 $0x9;
	_ =	strace $0x80000048  }
0xb3: {  	_ =	swait.ge [sflag:s29], $0x1  }
0xb4: {  	[sflag:s29] =	ssyncadd.s32 $0xFFFFFFFF  }
0xb5: {  	_ =	strace $0x90000048  }
0xb6: {  	_ =	sfence  }
0xb7: {  	s30 =	sld [smem:$0x0];
	_ =	sdelay $0x2  }
0xb8: {  	s31 =	sshll.u32 s1, $0xD;
	s1 =	sshrl.u32 s1, $0x2  }
0xb9: {  	s3 =	sand.u32 $0x4000, s31;
	s1 =	sadd.s32 s1, s30  }
0xba: {  	s0 =	sor.u32 s3, s0;
	s1 =	sshll.u32 s1, $0x11  }
0xbb: {  	s0 =	sor.u32 s1, s0  }
0xbc: {  	s0 =	sadd.s32 $0x8F2B, s0  }
0xbd: {  	[sflag:s0] =	ssyncadd.remote.s32 $0x1  }
0xbe: {  	_ =	sfence.sel $0xFFFF  }
0xbf: {  	[dreg:$0x0] =	wrdreg $0xFFFFFFFF;
	(pc) =	sbr.abs _section_cstart, $3  }
0xc0: {  	[dreg:$0x1] =	wrdreg $0xFFFFFFFF  }
0xc1: {  	_ =	task.clear_ibuf [dreg:s7], $0x2FFFF;
	_ =	strace $0x9FFFFFFF  }
0xc2: {  	(tm) =	ssettm $0x7FFFFFFF  }
0xc3: {  	_ =	shalt  }
tec
execute0_lowered:
.L_overlay_start_1:
0x0: {  	(tag) =	ssettag $0x1  }
0x1: {  	s0 =	rddreg [dreg:$0x0]  }
0x2: {  	s1 =	srdreg.scid;
	s6 =	stileid.u32  }
0x3: {  	s4 =	rddreg [dreg:$0x1];
	s2 =	simm.s32 $0x0;
	s22 =	simm.s32 $0xC780  }
0x4: {  	s23 =	simm.s32 $0x1;
	s28 =	simm.s32 $0x3;
	s29 =	simm.s32 $0xB  }
0x5: {  	s30 =	simm.s32 $0x4;
	s31 =	simm.s32 $0xC;
	s10 =	simm.s32 $0x6  }
0x6: {  	s12 =	simm.s32 $0xE;
	s14 =	simm.s32 $0x7;
	s16 =	simm.s32 $0xF  }
0x7: {  	s18 =	simm.s32 $0x8;
	s1 =	sand.u32 $0x1, s1;
	s3 =	sshll.u32 s6, $0x1  }
0x8: {  	[smem:$0x7FF] =	sst s2;
	s6 =	smul.u32 $0x64000, s6;
	s3 =	sor.u32 s1, s3  }
0x9: {  	_ =	strace $0x80000047;
	s5 =	ssub.s32 $0x2, s1;
	s1 =	smul.u32 $0x32000, s1  }
0xa: {  	s3 =	smul.u32 $0xE00, s3;
	s8 =	sshrl.u32 s5, $0x1;
	s4 =	sadd.s32 s6, s4  }
0xb: {  	s6 =	simm.s32 $0x0;
	s24 =	ssub.s32 s5, s8;
	s26 =	sadd.s32 s1, s4  }
0xc: {  	s1 =	simm.s32 $0x5;
	s7 =	sadd.s32 s3, s0;
	s3 =	sadd.s32 $0xF43000, s0  }
0xd: {  	s0 =	smax.u32 s24, $0x1;
	[dreg:$0x5] =	wrdreg s26;
	s24 =	simm.s32 $0x9  }
0xe: {  	s26 =	simm.s32 $0xA;
	s25 =	sadd.s32 $0xA00, s7;
	[dreg:$0x4] =	wrdreg s0  }
0xf: {  	s0 =	simm.s32 $0xD;
	[dreg:$0x3] =	wrdreg s25;
	s25 =	simm.s32 $0x2  }
.LBB2_1:
0x10: {  	[dreg:$0x6] =	wrdreg s6  }
0x11: {  	s4 =	rddreg [dreg:$0x3];
	s9 =	simm.s32 $0x11  }
0x12: {  	[tilespmem:s2], [sflag:$0x11] =	stream.linear.gather [hbm4b:s4+s2], $0x7000, $0x38;
	[tilespmem:$0xD400] =	vst v63  }
0x13: {  	_ =	swait.ge [sflag:s9], $0x7000  }
0x14: {  	[sflag:s9] =	ssyncset.done $0x0  }
0x15: {  	s5 =	simm.s32 $0x32;
	s6 =	simm.s32 $0x7000;
	[sflag:s9] =	ssyncadd.s32 $0xFFFF9000  }
0x16: {  	[tilespmem:s6], [sflag:$0x1] =	stream.indirect.gather [hbm4b:s3+s5], $0x40, s2, s5, $0xb8;
	[tilespmem:$0xD400] =	vst v63  }
0x17: {  	s11 =	simm.s32 $0x38;
	s7 =	simm.s32 $0x7C80  }
0x18: {  	[tilespmem:s7], [sflag:$0x2] =	stream.indirect.gather [hbm4b:s3+s5], $0x40, s11, s5, $0xb8;
	[tilespmem:$0xD400] =	vst v63  }
0x19: {  	s13 =	simm.s32 $0x70;
	s9 =	simm.s32 $0x8900  }
0x1a: {  	[tilespmem:s9], [sflag:$0x3] =	stream.indirect.gather [hbm4b:s3+s5], $0x40, s13, s5, $0xb8;
	[tilespmem:$0xD400] =	vst v63  }
0x1b: {  	s15 =	simm.s32 $0xA8;
	s11 =	simm.s32 $0x9580  }
0x1c: {  	[tilespmem:s11], [sflag:$0x4] =	stream.indirect.gather [hbm4b:s3+s5], $0x40, s15, s5, $0xb8;
	[tilespmem:$0xD400] =	vst v63  }
0x1d: {  	s17 =	simm.s32 $0xE0;
	s13 =	simm.s32 $0xA200  }
0x1e: {  	[tilespmem:s13], [sflag:$0x5] =	stream.indirect.gather [hbm4b:s3+s5], $0x40, s17, s5, $0xb8;
	[tilespmem:$0xD400] =	vst v63  }
0x1f: {  	s19 =	simm.s32 $0x118;
	p0 =	por $0x1, $0x1;
	s15 =	simm.s32 $0xAE80  }
0x20: {  	[tilespmem:s15], [sflag:$0x6] =	stream.indirect.gather [hbm4b:s3+s5], $0x40, s19, s5, $0xb8;
	[tilespmem:$0xD400] =	vst v63  }
0x21: {  	s20 =	simm.s32 $0x150;
	s4 =	simm.s32 @!p0 $0x10;
	s17 =	simm.s32 $0xBB00  }
0x22: {  	[tilespmem:s17], [sflag:$0x7] =	stream.indirect.gather [hbm4b:s3+s5], $0x40, s20, s5, $0xb8;
	[tilespmem:$0xD400] =	vst v63  }
0x23: {  	_ =	swait.ge @!p0 [sflag:s4], $0xC80  }
0x24: {  	[sflag:s4] =	ssyncset.done @!p0 $0x0  }
0x25: {  	s21 =	simm.s32 $0x188;
	[sflag:s4] =	ssyncadd.s32 @!p0 $0xFFFFF380  }
0x26: {  	[tilespmem:s22], [sflag:$0x8] =	stream.indirect.gather [hbm4b:s3+s5], $0x40, s21, s5, $0xb8;
	[tilespmem:$0xD400] =	vst v63  }
0x27: {  	_ =	swait.ge [sflag:s23], $0xC80  }
0x28: {  	[sflag:s23] =	ssyncset.done $0x0  }
0x29: {  	s8 =	rddreg [dreg:$0x5];
	[sflag:s23] =	ssyncadd.s32 $0xFFFFF380  }
0x2a: {  	[hbm4b:s8+s2] =	stream.linear.scatter [tilespmem:s6], [sflag:$0x9], $0xC80, $0x38;
	[tilespmem:$0xD400] =	vst v63  }
0x2b: {  	p0 =	por $0x0, $0x0;
	_ =	swait.ge [sflag:s24], $0xC80  }
0x2c: {  	s5 =	simm.s32 @!p0 $0x7000;
	[sflag:s24] =	ssyncset.done $0x0  }
0x2d: {  	s4 =	simm.s32 @!p0 $0x32;
	s6 =	simm.s32 @!p0 $0x1C0;
	[sflag:s24] =	ssyncadd.s32 $0xFFFFF380  }
0x2e: {  	[tilespmem:s5], [sflag:$0x1] =	stream.indirect.gather @!p0 [hbm4b:s3+s4], $0x40, s6, s4, $0xb8;
	[tilespmem:$0xD400] =	vst v63  }
0x2f: {  	_ =	swait.ge [sflag:s25], $0xC80  }
0x30: {  	[sflag:s25] =	ssyncset.done $0x0  }
0x31: {  	s6 =	sadd.s32 $0x190, s8;
	[sflag:s25] =	ssyncadd.s32 $0xFFFFF380  }
0x32: {  	[hbm4b:s6+s2] =	stream.linear.scatter [tilespmem:s7], [sflag:$0xA], $0xC80, $0x38;
	[tilespmem:$0xD400] =	vst v63  }
0x33: {  	_ =	swait.ge [sflag:s26], $0xC80  }
0x34: {  	[sflag:s26] =	ssyncset.done $0x0  }
0x35: {  	s5 =	simm.s32 @!p0 $0x1F8;
	s6 =	simm.s32 @!p0 $0x7C80;
	[sflag:s26] =	ssyncadd.s32 $0xFFFFF380  }
0x36: {  	[tilespmem:s6], [sflag:$0x2] =	stream.indirect.gather @!p0 [hbm4b:s3+s4], $0x40, s5, s4, $0xb8;
	[tilespmem:$0xD400] =	vst v63  }
0x37: {  	_ =	swait.ge [sflag:s28], $0xC80  }
0x38: {  	[sflag:s28] =	ssyncset.done $0x0  }
0x39: {  	s7 =	sadd.s32 $0x320, s8;
	[sflag:s28] =	ssyncadd.s32 $0xFFFFF380  }
0x3a: {  	[hbm4b:s7+s2] =	stream.linear.scatter [tilespmem:s9], [sflag:$0xB], $0xC80, $0x38;
	[tilespmem:$0xD400] =	vst v63  }
0x3b: {  	_ =	swait.ge [sflag:s29], $0xC80  }
0x3c: {  	[sflag:s29] =	ssyncset.done $0x0  }
0x3d: {  	s5 =	simm.s32 @!p0 $0x230;
	s6 =	simm.s32 @!p0 $0x8900;
	[sflag:s29] =	ssyncadd.s32 $0xFFFFF380  }
0x3e: {  	[tilespmem:s6], [sflag:$0x3] =	stream.indirect.gather @!p0 [hbm4b:s3+s4], $0x40, s5, s4, $0xb8;
	[tilespmem:$0xD400] =	vst v63  }
0x3f: {  	_ =	swait.ge [sflag:s30], $0xC80  }
0x40: {  	[sflag:s30] =	ssyncset.done $0x0  }
0x41: {  	s9 =	sadd.s32 $0x4B0, s8;
	[sflag:s30] =	ssyncadd.s32 $0xFFFFF380  }
0x42: {  	[hbm4b:s9+s2] =	stream.linear.scatter [tilespmem:s11], [sflag:$0xC], $0xC80, $0x38;
	[tilespmem:$0xD400] =	vst v63  }
0x43: {  	_ =	swait.ge [sflag:s31], $0xC80  }
0x44: {  	[sflag:s31] =	ssyncset.done $0x0  }
0x45: {  	s5 =	simm.s32 @!p0 $0x268;
	s6 =	simm.s32 @!p0 $0x9580;
	[sflag:s31] =	ssyncadd.s32 $0xFFFFF380  }
0x46: {  	[tilespmem:s6], [sflag:$0x4] =	stream.indirect.gather @!p0 [hbm4b:s3+s4], $0x40, s5, s4, $0xb8;
	[tilespmem:$0xD400] =	vst v63  }
0x47: {  	_ =	swait.ge [sflag:s1], $0xC80  }
0x48: {  	[sflag:s1] =	ssyncset.done $0x0  }
0x49: {  	s19 =	sadd.s32 $0x640, s8;
	[sflag:s1] =	ssyncadd.s32 $0xFFFFF380  }
0x4a: {  	[hbm4b:s19+s2] =	stream.linear.scatter [tilespmem:s13], [sflag:$0xD], $0xC80, $0x38;
	[tilespmem:$0xD400] =	vst v63  }
0x4b: {  	_ =	swait.ge [sflag:s0], $0xC80  }
0x4c: {  	[sflag:s0] =	ssyncset.done $0x0  }
0x4d: {  	s5 =	simm.s32 @!p0 $0x2A0;
	s6 =	simm.s32 @!p0 $0xA200;
	[sflag:s0] =	ssyncadd.s32 $0xFFFFF380  }
0x4e: {  	[tilespmem:s6], [sflag:$0x5] =	stream.indirect.gather @!p0 [hbm4b:s3+s4], $0x40, s5, s4, $0xb8;
	[tilespmem:$0xD400] =	vst v63  }
0x4f: {  	_ =	swait.ge [sflag:s10], $0xC80  }
0x50: {  	[sflag:s10] =	ssyncset.done $0x0  }
0x51: {  	s20 =	sadd.s32 $0x7D0, s8;
	[sflag:s10] =	ssyncadd.s32 $0xFFFFF380  }
0x52: {  	[hbm4b:s20+s2] =	stream.linear.scatter [tilespmem:s15], [sflag:$0xE], $0xC80, $0x38;
	[tilespmem:$0xD400] =	vst v63  }
0x53: {  	_ =	swait.ge [sflag:s12], $0xC80  }
0x54: {  	[sflag:s12] =	ssyncset.done $0x0  }
0x55: {  	s5 =	simm.s32 @!p0 $0x2D8;
	s6 =	simm.s32 @!p0 $0xAE80;
	[sflag:s12] =	ssyncadd.s32 $0xFFFFF380  }
0x56: {  	[tilespmem:s6], [sflag:$0x6] =	stream.indirect.gather @!p0 [hbm4b:s3+s4], $0x40, s5, s4, $0xb8;
	[tilespmem:$0xD400] =	vst v63  }
0x57: {  	_ =	swait.ge [sflag:s14], $0xC80  }
0x58: {  	[sflag:s14] =	ssyncset.done $0x0  }
0x59: {  	s21 =	sadd.s32 $0x960, s8;
	[sflag:s14] =	ssyncadd.s32 $0xFFFFF380  }
0x5a: {  	[hbm4b:s21+s2] =	stream.linear.scatter [tilespmem:s17], [sflag:$0xF], $0xC80, $0x38;
	[tilespmem:$0xD400] =	vst v63  }
0x5b: {  	_ =	swait.ge [sflag:s16], $0xC80  }
0x5c: {  	p1 =	por $0x0, $0x0;
	[sflag:s16] =	ssyncset.done $0x0  }
0x5d: {  	s5 =	simm.s32 @!p0 $0x310;
	s6 =	simm.s32 @!p0 $0xBB00;
	[sflag:s16] =	ssyncadd.s32 $0xFFFFF380  }
0x5e: {  	[tilespmem:s6], [sflag:$0x7] =	stream.indirect.gather @!p0 [hbm4b:s3+s4], $0x40, s5, s4, $0xb8;
	[tilespmem:$0xD400] =	vst v63  }
0x5f: {  	s7 =	simm.s32 $0xE00;
	s20 =	simm.s32 $0x700;
	_ =	swait.ge [sflag:s18], $0xC80  }
0x60: {  	s5 =	sadd.s32 $0xC80, s8;
	s6 =	sadd.s32 $0xAF0, s8;
	[sflag:s18] =	ssyncset.done $0x0  }
.LBB2_2:
0x61: {  	s8 =	simm.s32 @!p1 $0x10;
	[sflag:s18] =	ssyncadd.s32 $0xFFFFF380  }
0x62: {  	s13 =	smov.u32 s7;
	s7 =	sadd.s32 $0x700, s7;
	s4 =	smov.u32 s5  }
0x63: {  	[hbm4b:s6+s2] =	stream.linear.scatter [tilespmem:s22], [sflag:$0x10], $0xC80, $0x38;
	[tilespmem:$0xD400] =	vst v63  }
0x64: {  	p0 =	sne.s32 s7, $0x1C000;
	_ =	swait.ge @!p1 [sflag:s8], $0xC80  }
0x65: {  	s6 =	sshra.s32 s20, $0x2;
	[sflag:s8] =	ssyncset.done @!p1 $0x0  }
0x66: {  	s6 =	sadd.s32 $0x188, s6;
	[sflag:s8] =	ssyncadd.s32 @!p1 $0xFFFFF380;
	s8 =	simm.s32 $0x32  }
0x67: {  	[tilespmem:s22], [sflag:$0x8] =	stream.indirect.gather [hbm4b:s3+s8], $0x40, s6, s8, $0xb8;
	[tilespmem:$0xD400] =	vst v63  }
0x68: {  	_ =	swait.ge [sflag:s23], $0xC80  }
0x69: {  	[sflag:s23] =	ssyncset.done $0x0  }
0x6a: {  	p1 =	seq.s32 s20, $0x1B900;
	s6 =	simm.s32 $0x7000;
	[sflag:s23] =	ssyncadd.s32 $0xFFFFF380  }
0x6b: {  	[hbm4b:s5+s2] =	stream.linear.scatter [tilespmem:s6], [sflag:$0x9], $0xC80, $0x38;
	[tilespmem:$0xD400] =	vst v63  }
0x6c: {  	s15 =	sadd.s32 $0x190, s5;
	s9 =	sshra.s32 @!p1 s20, $0x2;
	_ =	swait.ge [sflag:s24], $0xC80  }
0x6d: {  	s8 =	simm.s32 @!p1 $0x7000;
	s20 =	simm.s32 $0x7C80;
	[sflag:s24] =	ssyncset.done $0x0  }
0x6e: {  	s11 =	sadd.s32 @!p1 $0x1C0, s9;
	s6 =	simm.s32 @!p1 $0x32;
	[sflag:s24] =	ssyncadd.s32 $0xFFFFF380  }
0x6f: {  	[tilespmem:s8], [sflag:$0x1] =	stream.indirect.gather @!p1 [hbm4b:s3+s6], $0x40, s11, s6, $0xb8;
	[tilespmem:$0xD400] =	vst v63  }
0x70: {  	s17 =	sadd.s32 @!p1 $0x1F8, s9;
	s19 =	sadd.s32 @!p1 $0x230, s9;
	_ =	swait.ge [sflag:s25], $0xC80  }
0x71: {  	s21 =	sadd.s32 @!p1 $0x268, s9;
	s11 =	sadd.s32 @!p1 $0x2A0, s9;
	[sflag:s25] =	ssyncset.done $0x0  }
0x72: {  	s8 =	sadd.s32 @!p1 $0x2D8, s9;
	s9 =	sadd.s32 @!p1 $0x310, s9;
	[sflag:s25] =	ssyncadd.s32 $0xFFFFF380  }
0x73: {  	[hbm4b:s15+s2] =	stream.linear.scatter [tilespmem:s20], [sflag:$0xA], $0xC80, $0x38;
	[tilespmem:$0xD400] =	vst v63  }
0x74: {  	s20 =	smov.u32 s13;
	_ =	swait.ge [sflag:s26], $0xC80  }
0x75: {  	[sflag:s26] =	ssyncset.done $0x0  }
0x76: {  	s13 =	simm.s32 @!p1 $0x7C80;
	[sflag:s26] =	ssyncadd.s32 $0xFFFFF380  }
0x77: {  	[tilespmem:s13], [sflag:$0x2] =	stream.indirect.gather @!p1 [hbm4b:s3+s6], $0x40, s17, s6, $0xb8;
	[tilespmem:$0xD400] =	vst v63  }
0x78: {  	_ =	swait.ge [sflag:s28], $0xC80  }
0x79: {  	[sflag:s28] =	ssyncset.done $0x0  }
0x7a: {  	s15 =	simm.s32 $0x8900;
	s13 =	sadd.s32 $0x320, s5;
	[sflag:s28] =	ssyncadd.s32 $0xFFFFF380  }
0x7b: {  	[hbm4b:s13+s2] =	stream.linear.scatter [tilespmem:s15], [sflag:$0xB], $0xC80, $0x38;
	[tilespmem:$0xD400] =	vst v63  }
0x7c: {  	_ =	swait.ge [sflag:s29], $0xC80  }
0x7d: {  	[sflag:s29] =	ssyncset.done $0x0  }
0x7e: {  	s13 =	simm.s32 @!p1 $0x8900;
	[sflag:s29] =	ssyncadd.s32 $0xFFFFF380  }
0x7f: {  	[tilespmem:s13], [sflag:$0x3] =	stream.indirect.gather @!p1 [hbm4b:s3+s6], $0x40, s19, s6, $0xb8;
	[tilespmem:$0xD400] =	vst v63  }
0x80: {  	_ =	swait.ge [sflag:s30], $0xC80  }
0x81: {  	[sflag:s30] =	ssyncset.done $0x0  }
0x82: {  	s15 =	simm.s32 $0x9580;
	s13 =	sadd.s32 $0x4B0, s5;
	[sflag:s30] =	ssyncadd.s32 $0xFFFFF380  }
0x83: {  	[hbm4b:s13+s2] =	stream.linear.scatter [tilespmem:s15], [sflag:$0xC], $0xC80, $0x38;
	[tilespmem:$0xD400] =	vst v63  }
0x84: {  	_ =	swait.ge [sflag:s31], $0xC80  }
0x85: {  	[sflag:s31] =	ssyncset.done $0x0  }
0x86: {  	s13 =	simm.s32 @!p1 $0x9580;
	[sflag:s31] =	ssyncadd.s32 $0xFFFFF380  }
0x87: {  	[tilespmem:s13], [sflag:$0x4] =	stream.indirect.gather @!p1 [hbm4b:s3+s6], $0x40, s21, s6, $0xb8;
	[tilespmem:$0xD400] =	vst v63  }
0x88: {  	_ =	swait.ge [sflag:s1], $0xC80  }
0x89: {  	[sflag:s1] =	ssyncset.done $0x0  }
0x8a: {  	s15 =	simm.s32 $0xA200;
	s13 =	sadd.s32 $0x640, s5;
	[sflag:s1] =	ssyncadd.s32 $0xFFFFF380  }
0x8b: {  	[hbm4b:s13+s2] =	stream.linear.scatter [tilespmem:s15], [sflag:$0xD], $0xC80, $0x38;
	[tilespmem:$0xD400] =	vst v63  }
0x8c: {  	_ =	swait.ge [sflag:s0], $0xC80  }
0x8d: {  	[sflag:s0] =	ssyncset.done $0x0  }
0x8e: {  	s13 =	simm.s32 @!p1 $0xA200;
	[sflag:s0] =	ssyncadd.s32 $0xFFFFF380  }
0x8f: {  	[tilespmem:s13], [sflag:$0x5] =	stream.indirect.gather @!p1 [hbm4b:s3+s6], $0x40, s11, s6, $0xb8;
	[tilespmem:$0xD400] =	vst v63  }
0x90: {  	_ =	swait.ge [sflag:s10], $0xC80  }
0x91: {  	[sflag:s10] =	ssyncset.done $0x0  }
0x92: {  	s11 =	sadd.s32 $0x7D0, s5;
	s13 =	simm.s32 $0xAE80;
	[sflag:s10] =	ssyncadd.s32 $0xFFFFF380  }
0x93: {  	[hbm4b:s11+s2] =	stream.linear.scatter [tilespmem:s13], [sflag:$0xE], $0xC80, $0x38;
	[tilespmem:$0xD400] =	vst v63  }
0x94: {  	_ =	swait.ge [sflag:s12], $0xC80  }
0x95: {  	[sflag:s12] =	ssyncset.done $0x0  }
0x96: {  	s11 =	simm.s32 @!p1 $0xAE80;
	[sflag:s12] =	ssyncadd.s32 $0xFFFFF380  }
0x97: {  	[tilespmem:s11], [sflag:$0x6] =	stream.indirect.gather @!p1 [hbm4b:s3+s6], $0x40, s8, s6, $0xb8;
	[tilespmem:$0xD400] =	vst v63  }
0x98: {  	_ =	swait.ge [sflag:s14], $0xC80  }
0x99: {  	[sflag:s14] =	ssyncset.done $0x0  }
0x9a: {  	s8 =	sadd.s32 $0x960, s5;
	s11 =	simm.s32 $0xBB00;
	[sflag:s14] =	ssyncadd.s32 $0xFFFFF380  }
0x9b: {  	[hbm4b:s8+s2] =	stream.linear.scatter [tilespmem:s11], [sflag:$0xF], $0xC80, $0x38;
	[tilespmem:$0xD400] =	vst v63  }
0x9c: {  	_ =	swait.ge [sflag:s16], $0xC80  }
.Ltmp0:
0x9d: {  	[sflag:s16] =	ssyncset.done $0x0;
	(pc) =	sbr.rel @p0 .LBB2_2-.Ltmp0, $4  }
0x9e: {  	s8 =	simm.s32 @!p1 $0xBB00;
	[sflag:s16] =	ssyncadd.s32 $0xFFFFF380  }
0x9f: {  	[tilespmem:s8], [sflag:$0x7] =	stream.indirect.gather @!p1 [hbm4b:s3+s6], $0x40, s9, s6, $0xb8;
	[tilespmem:$0xD400] =	vst v63  }
0xa0: {  	s5 =	sadd.s32 $0xC80, s5;
	_ =	swait.ge [sflag:s18], $0xC80  }
0xa1: {  	p1 =	seq.s32 s20, $0x0;
	s6 =	sadd.s32 $0xAF0, s4;
	[sflag:s18] =	ssyncset.done $0x0  }
0xa2: {  	s4 =	simm.s32 @!p1 $0x10;
	[sflag:s18] =	ssyncadd.s32 $0xFFFFF380  }
0xa3: {  	[hbm4b:s6+s2] =	stream.linear.scatter [tilespmem:s22], [sflag:$0x10], $0xC80, $0x38;
	[tilespmem:$0xD400] =	vst v63  }
0xa4: {  	_ =	swait.ge @!p1 [sflag:s4], $0xC80  }
0xa5: {  	s21 =	sshra.s32 s20, $0x2;
	[sflag:s4] =	ssyncset.done @!p1 $0x0  }
0xa6: {  	s7 =	simm.s32 $0x32;
	s6 =	sadd.s32 $0x188, s21;
	[sflag:s4] =	ssyncadd.s32 @!p1 $0xFFFFF380  }
0xa7: {  	[tilespmem:s22], [sflag:$0x8] =	stream.indirect.gather [hbm4b:s3+s7], $0x40, s6, s7, $0xb8;
	[tilespmem:$0xD400] =	vst v63  }
0xa8: {  	_ =	swait.ge [sflag:s23], $0xC80  }
0xa9: {  	[sflag:s23] =	ssyncset.done $0x0  }
0xaa: {  	s8 =	simm.s32 $0x7000;
	[sflag:s23] =	ssyncadd.s32 $0xFFFFF380  }
0xab: {  	[hbm4b:s5+s2] =	stream.linear.scatter [tilespmem:s8], [sflag:$0x9], $0xC80, $0x38;
	[tilespmem:$0xD400] =	vst v63  }
0xac: {  	p0 =	seq.s32 s20, $0x1B900;
	_ =	swait.ge [sflag:s24], $0xC80  }
0xad: {  	s4 =	sshra.s32 @!p0 s20, $0x2;
	s7 =	simm.s32 @!p0 $0x7000;
	[sflag:s24] =	ssyncset.done $0x0  }
0xae: {  	s6 =	simm.s32 @!p0 $0x32;
	s8 =	sadd.s32 @!p0 $0x1C0, s4;
	[sflag:s24] =	ssyncadd.s32 $0xFFFFF380  }
0xaf: {  	[tilespmem:s7], [sflag:$0x1] =	stream.indirect.gather @!p0 [hbm4b:s3+s6], $0x40, s8, s6, $0xb8;
	[tilespmem:$0xD400] =	vst v63  }
0xb0: {  	_ =	swait.ge [sflag:s25], $0xC80  }
0xb1: {  	[sflag:s25] =	ssyncset.done $0x0  }
0xb2: {  	s9 =	sadd.s32 $0x190, s5;
	s11 =	simm.s32 $0x7C80;
	[sflag:s25] =	ssyncadd.s32 $0xFFFFF380  }
0xb3: {  	[hbm4b:s9+s2] =	stream.linear.scatter [tilespmem:s11], [sflag:$0xA], $0xC80, $0x38;
	[tilespmem:$0xD400] =	vst v63  }
0xb4: {  	_ =	swait.ge [sflag:s26], $0xC80  }
0xb5: {  	[sflag:s26] =	ssyncset.done $0x0  }
0xb6: {  	s7 =	sadd.s32 @!p0 $0x1F8, s4;
	s8 =	simm.s32 @!p0 $0x7C80;
	[sflag:s26] =	ssyncadd.s32 $0xFFFFF380  }
0xb7: {  	[tilespmem:s8], [sflag:$0x2] =	stream.indirect.gather @!p0 [hbm4b:s3+s6], $0x40, s7, s6, $0xb8;
	[tilespmem:$0xD400] =	vst v63  }
0xb8: {  	_ =	swait.ge [sflag:s28], $0xC80  }
0xb9: {  	[sflag:s28] =	ssyncset.done $0x0  }
0xba: {  	s13 =	sadd.s32 $0x320, s5;
	s15 =	simm.s32 $0x8900;
	[sflag:s28] =	ssyncadd.s32 $0xFFFFF380  }
0xbb: {  	[hbm4b:s13+s2] =	stream.linear.scatter [tilespmem:s15], [sflag:$0xB], $0xC80, $0x38;
	[tilespmem:$0xD400] =	vst v63  }
0xbc: {  	_ =	swait.ge [sflag:s29], $0xC80  }
0xbd: {  	[sflag:s29] =	ssyncset.done $0x0  }
0xbe: {  	s7 =	sadd.s32 @!p0 $0x230, s4;
	s8 =	simm.s32 @!p0 $0x8900;
	[sflag:s29] =	ssyncadd.s32 $0xFFFFF380  }
0xbf: {  	[tilespmem:s8], [sflag:$0x3] =	stream.indirect.gather @!p0 [hbm4b:s3+s6], $0x40, s7, s6, $0xb8;
	[tilespmem:$0xD400] =	vst v63  }
0xc0: {  	_ =	swait.ge [sflag:s30], $0xC80  }
0xc1: {  	[sflag:s30] =	ssyncset.done $0x0  }
0xc2: {  	s17 =	sadd.s32 $0x4B0, s5;
	s19 =	simm.s32 $0x9580;
	[sflag:s30] =	ssyncadd.s32 $0xFFFFF380  }
0xc3: {  	[hbm4b:s17+s2] =	stream.linear.scatter [tilespmem:s19], [sflag:$0xC], $0xC80, $0x38;
	[tilespmem:$0xD400] =	vst v63  }
0xc4: {  	_ =	swait.ge [sflag:s31], $0xC80  }
0xc5: {  	[sflag:s31] =	ssyncset.done $0x0  }
0xc6: {  	s7 =	sadd.s32 @!p0 $0x268, s4;
	s8 =	simm.s32 @!p0 $0x9580;
	[sflag:s31] =	ssyncadd.s32 $0xFFFFF380  }
0xc7: {  	[tilespmem:s8], [sflag:$0x4] =	stream.indirect.gather @!p0 [hbm4b:s3+s6], $0x40, s7, s6, $0xb8;
	[tilespmem:$0xD400] =	vst v63  }
0xc8: {  	_ =	swait.ge [sflag:s1], $0xC80  }
0xc9: {  	[sflag:s1] =	ssyncset.done $0x0  }
0xca: {  	s21 =	simm.s32 $0xA200;
	s20 =	sadd.s32 $0x640, s5;
	[sflag:s1] =	ssyncadd.s32 $0xFFFFF380  }
0xcb: {  	[hbm4b:s20+s2] =	stream.linear.scatter [tilespmem:s21], [sflag:$0xD], $0xC80, $0x38;
	[tilespmem:$0xD400] =	vst v63  }
0xcc: {  	_ =	swait.ge [sflag:s0], $0xC80  }
0xcd: {  	[sflag:s0] =	ssyncset.done $0x0  }
0xce: {  	s7 =	sadd.s32 @!p0 $0x2A0, s4;
	s8 =	simm.s32 @!p0 $0xA200;
	[sflag:s0] =	ssyncadd.s32 $0xFFFFF380  }
0xcf: {  	[tilespmem:s8], [sflag:$0x5] =	stream.indirect.gather @!p0 [hbm4b:s3+s6], $0x40, s7, s6, $0xb8;
	[tilespmem:$0xD400] =	vst v63  }
0xd0: {  	_ =	swait.ge [sflag:s10], $0xC80  }
0xd1: {  	[sflag:s10] =	ssyncset.done $0x0  }
0xd2: {  	s9 =	sadd.s32 $0x7D0, s5;
	s11 =	simm.s32 $0xAE80;
	[sflag:s10] =	ssyncadd.s32 $0xFFFFF380  }
0xd3: {  	[hbm4b:s9+s2] =	stream.linear.scatter [tilespmem:s11], [sflag:$0xE], $0xC80, $0x38;
	[tilespmem:$0xD400] =	vst v63  }
0xd4: {  	_ =	swait.ge [sflag:s12], $0xC80  }
0xd5: {  	[sflag:s12] =	ssyncset.done $0x0  }
0xd6: {  	s7 =	sadd.s32 @!p0 $0x2D8, s4;
	s8 =	simm.s32 @!p0 $0xAE80;
	[sflag:s12] =	ssyncadd.s32 $0xFFFFF380  }
0xd7: {  	[tilespmem:s8], [sflag:$0x6] =	stream.indirect.gather @!p0 [hbm4b:s3+s6], $0x40, s7, s6, $0xb8;
	[tilespmem:$0xD400] =	vst v63  }
0xd8: {  	_ =	swait.ge [sflag:s14], $0xC80  }
0xd9: {  	[sflag:s14] =	ssyncset.done $0x0  }
0xda: {  	s13 =	sadd.s32 $0x960, s5;
	s15 =	simm.s32 $0xBB00;
	[sflag:s14] =	ssyncadd.s32 $0xFFFFF380  }
0xdb: {  	[hbm4b:s13+s2] =	stream.linear.scatter [tilespmem:s15], [sflag:$0xF], $0xC80, $0x38;
	[tilespmem:$0xD400] =	vst v63  }
0xdc: {  	_ =	swait.ge [sflag:s16], $0xC80  }
0xdd: {  	[sflag:s16] =	ssyncset.done $0x0  }
0xde: {  	s4 =	sadd.s32 @!p0 $0x310, s4;
	s7 =	simm.s32 @!p0 $0xBB00;
	[sflag:s16] =	ssyncadd.s32 $0xFFFFF380  }
0xdf: {  	[tilespmem:s7], [sflag:$0x7] =	stream.indirect.gather @!p0 [hbm4b:s3+s6], $0x40, s4, s6, $0xb8;
	[tilespmem:$0xD400] =	vst v63  }
0xe0: {  	_ =	swait.ge [sflag:s18], $0xC80  }
0xe1: {  	[sflag:s18] =	ssyncset.done $0x0  }
0xe2: {  	s17 =	sadd.s32 $0xAF0, s5;
	s19 =	simm.s32 $0x10;
	[sflag:s18] =	ssyncadd.s32 $0xFFFFF380  }
0xe3: {  	[hbm4b:s17+s2] =	stream.linear.scatter [tilespmem:s22], [sflag:$0x10], $0xC80, $0x38;
	[tilespmem:$0xD400] =	vst v63  }
0xe4: {  	_ =	swait.ge [sflag:s19], $0xC80  }
0xe5: {  	s20 =	rddreg [dreg:$0x6]  }
0xe6: {  	s21 =	rddreg [dreg:$0x4];
	s6 =	sadd.s32 $0x1, s20  }
0xe7: {  	p0 =	sne.s32 s6, s21  }
.Ltmp1:
0xe8: {  	_ = 	snop;
	(pc) =	sbr.rel @p0 .LBB2_1-.Ltmp1, $3  }
0xe9: {  	_ =	sdelay $0x1  }
0xea: {  	[sflag:s19] =	ssyncset.done $0x0  }
0xeb: {  	[sflag:s19] =	ssyncadd.s32 $0xFFFFF380  }
0xec: {  	_ =	sfence.sel $0x180000  }
0xed: {  	[bflag:$0x0] =	sbarrier.arrive $0xFFFF  }
0xee: {  	_ =	strace $0x90000047  }
0xef: {  	s0 =	stileid.u32;
	[bflag:$0x2] =	sbarrier.arrive $0xFFFF  }
0xf0: {  	p0 =	sne.s32 s0, $0x0;
	s0 =	rddreg [dreg:$0x2]  }
0xf1: {  	s0 =	sadd.s32 @!p0 $0x100000, s0  }
0xf2: {  	[sflag:s0] =	ssyncadd.tile.s32 @!p0 $0x1;
	_ =	shalt  }
.Lfunc_end2:
_tile_overlayer_lowered:
.L_overlay_start_2:
0xf3: {  	(tag) =	ssettag $0x2  }
0xf4: {  	s0 =	rddreg [dreg:$0x0];
	s2 =	stileid.u32  }
0xf5: {  	s1 =	rddreg [dreg:$0x1];
	p0 =	sne.s32 s2, $0x0  }
0xf6: {  	s3 =	rddreg [dreg:$0x2];
	[bflag:$0x3] =	sbarrier.arrive $0xFFFF;
	s2 =	simm.s32 @!p0 $0x1C11  }
0xf7: {  	[timem:s3], [sflag:s2] =	dma.local @!p0 [hbm:s0], s1  }
0xf8: {  	s0 =	simm.s32 @!p0 $0x11  }
0xf9: {  	_ =	swait.ge @!p0 [sflag:s0], s1  }
0xfa: {  	s1 =	ssub.s32 @!p0 $0x0, s1;
	[sflag:s0] =	ssyncset.done @!p0 $0x0  }
0xfb: {  	[sflag:s0] =	ssyncadd.s32 @!p0 s1  }
0xfc: {  	[bflag:$0x3] =	sbarrier.arrive $0xFFFF  }
0xfd: {  	_ =	shalt  }

// kernel: sparse-core-data-format-call.cloned.1.call-start
scs
called_computation_lowered:
.L_overlay_start_0:
0x0: {  	s2 =	sld [smem:$0x3FD9]  }
0x1: {  	s3 =	sld [smem:$0x3FFE];
	_ =	sdelay $0x1  }
0x2: {  	s1 =	srdreg.scid  }
0x3: {  	s0 =	sand.u32 $0x1, s1  }
0x4: {  	s18 =	sshll.u32 s0, $0xA;
	s2 =	sadd.s32 s3, s2  }
0x5: {  	s2 =	sadd.s32 s2, s18  }
0x6: {  	[smem:$0x3FC6] =	sst s2  }
0x7: {  	_ = 	snop  }
0x8: {  	s2 =	sld [smem:$0x3FD0];
	(tm) =	ssettm $0x1  }
0x9: {  	s19 =	sld [smem:$0x3FFB];
	_ =	sdelay $0x3  }
0xa: {  	_ =	strace s19  }
0xb: {  	s3 =	sld [smem:$0x3FFC];
	_ =	sdelay $0x3  }
0xc: {  	_ =	strace s3  }
0xd: {  	s3 =	sld [smem:$0x3FFD];
	_ =	sdelay $0x3  }
0xe: {  	_ =	strace s3  }
0xf: {  	_ =	strace $0x8FFFFFFF  }
0x10: {  	s20 =	sld [smem:$0x3FDB];
	_ =	sdelay $0x1  }
0x11: {  	s4 =	simm.s32 $_scs_section_size  }
0x12: {  	s5 =	simm.s32 $_size__tile_overlayer_lowered;
	s6 =	simm.s32 $_tile_overlayer_lowered  }
0x13: {  	s23 =	simm.s32 $0x1BFF;
	s22 =	sshll.u32 s6, $0x1;
	s3 =	sadd.s32 s4, s20  }
0x14: {  	s7 =	simm.s32 $0x0;
	s21 =	sshll.u32 s5, $0x1;
	s5 =	sadd.s32 s22, s3  }
0x15: {  	[timem:s7], [sflag:s23] =	dma.local [hbm:s5], s21  }
0x16: {  	_ =	swait.ge [sflag:s23], s21  }
0x17: {  	s4 =	ssub.s32 $0x0, s21;
	[sflag:s23] =	ssyncset.done $0x0  }
0x18: {  	[sflag:s23] =	ssyncadd.s32 s4;
	_ =	sdelay $0x1  }
0x19: {  	s24 =	simm.s32 $0x1B8B  }
0x1a: {  	_ =	swait.ge [sflag:s24], $0x1  }
0x1b: {  	[sflag:s24] =	ssyncset.done $0x0  }
0x1c: {  	s26 =	simm.s32 $0x1B8E;
	s25 =	sld [smem:$0x3FFE];
	[sflag:s24] =	ssyncadd.s32 $0xFFFFFFFF  }
0x1d: {  	s27 =	simm.s32 $execute0_lowered;
	[smem:$0x3FD2] =	sst s26  }
0x1e: {  	s5 =	sshll.u32 s27, $0x1;
	_ =	strace $0x80000049;
	[dreg:$0x1] =	wrdreg $0xFFFFFFFF  }
0x1f: {  	s28 =	simm.s32 $_size_execute0_lowered;
	s3 =	sadd.s32 s3, s5;
	[dreg:$0x0] =	wrdreg $0x0  }
0x20: {  	s5 =	sshll.u32 s28, $0x1;
	[dreg:$0x2] =	wrdreg s3  }
0x21: {  	[dreg:$0x3] =	wrdreg s5  }
0x22: {  	[dreg:$0x4] =	wrdreg $0xC0  }
0x23: {  	_ =	task [dreg:s7], $0x5FFFF  }
0x24: {  	[dreg:$0x1] =	wrdreg $0xFFFFFFFF  }
0x25: {  	[dreg:$0x0] =	wrdreg $0x60  }
0x26: {  	[dreg:$0x2] =	wrdreg s25  }
0x27: {  	[dreg:$0x3] =	wrdreg s2  }
0x28: {  	[dreg:$0x4] =	wrdreg $0x9  }
0x29: {  	_ =	task.clear_ibuf [dreg:s7], $0x5FFFF;
	_ =	strace $0x90000049  }
0x2a: {  	s29 =	simm.s32 $0x9;
	_ =	strace $0x8000004B  }
0x2b: {  	_ =	swait.ge [sflag:s29], $0x1  }
0x2c: {  	[sflag:s29] =	ssyncadd.s32 $0xFFFFFFFF  }
0x2d: {  	_ =	strace $0x9000004B  }
0x2e: {  	_ =	sfence  }
0x2f: {  	s30 =	sld [smem:$0x0];
	_ =	sdelay $0x2  }
0x30: {  	s31 =	sshll.u32 s1, $0xD;
	s1 =	sshrl.u32 s1, $0x2  }
0x31: {  	s3 =	sand.u32 $0x4000, s31;
	s1 =	sadd.s32 s1, s30  }
0x32: {  	s0 =	sor.u32 s3, s0;
	s1 =	sshll.u32 s1, $0x11  }
0x33: {  	s0 =	sor.u32 s1, s0  }
0x34: {  	s0 =	sadd.s32 $0x8F2B, s0  }
0x35: {  	[sflag:s0] =	ssyncadd.remote.s32 $0x1  }
0x36: {  	_ =	sfence.sel $0xFFFF  }
0x37: {  	[dreg:$0x0] =	wrdreg $0xFFFFFFFF;
	(pc) =	sbr.abs _section_cstart, $3  }
0x38: {  	[dreg:$0x1] =	wrdreg $0xFFFFFFFF  }
0x39: {  	_ =	task.clear_ibuf [dreg:s7], $0x2FFFF;
	_ =	strace $0x9FFFFFFF  }
0x3a: {  	(tm) =	ssettm $0x7FFFFFFF  }
0x3b: {  	_ =	shalt  }
tec
execute0_lowered:
.L_overlay_start_1:
0x0: {  	(tag) =	ssettag $0x1  }
0x1: {  	s0 =	srdreg.scid  }
0x2: {  	s1 =	sshll.u32 s0, $0x4  }
0x3: {  	s0 =	stileid.u32;
	s1 =	sand.u32 $0x10, s1  }
0x4: {  	s1 =	sor.u32 s0, s1  }
0x5: {  	s6 =	rddreg [dreg:$0x0];
	s4 =	simm.s32 $0x1;
	s2 =	sshll.u32 s1, $0x7  }
0x6: {  	s7 =	simm.s32 $0x2;
	s12 =	simm.s32 $0x0;
	s1 =	ssub.s32 $0x4000, s2  }
0x7: {  	s8 =	simm.s32 $0x20000;
	s13 =	simm.s32 $0x0;
	s3 =	sand.u32 $0xF80, s1  }
0x8: {  	s9 =	simm.s32 $0x0;
	s5 =	sshrl.u32 s1, $0xC;
	p0 =	sne.s32 s3, $0x0  }
.Ltmp0:
0x9: {  	s1 =	rddreg [dreg:$0x2];
	s4 =	simm.s32 @!p0 $0x0;
	(pc) =	sbr.rel .LBB1_1-.Ltmp0, $4  }
0xa: {  	s11 =	simm.s32 $0x0;
	s3 =	rddreg [dreg:$0x1];
	s5 =	sadd.s32 s4, s5  }
0xb: {  	_ =	strace $0x8000004A;
	s4 =	simm.s32 $0x1;
	s5 =	smul.u32 $0x32, s5  }
0xc: {  	s6 =	sadd.s32 $0xA00, s6;
	s10 =	smov.u32 s2;
	[sflag:s4] =	ssyncpa.u1 $0x0  }
0xd: {  	p0 =	por $0x0, $0x0;
	[sflag:s7] =	ssyncpa.u1 $0x0;
	s7 =	sor.u32 $0x1, s5  }
.LBB1_4:
0xe: {  	s16 =	sshll.u32 s13, $0x3;
	s17 =	sand.u32 $0x78, s13  }
0xf: {  	s30 =	sand.u32 $0x1F800, s13;
	s12 =	sshll.u32 s12, $0x11;
	s16 =	sand.u32 $0x3C00, s16  }
0x10: {  	[tilespmem:s15+$0x810 ss:$0x81] =	vst.msk $0xffff, v2;
	s31 =	sand.u32 $0x7, s13;
	s16 =	sor.u32 s17, s16;
	s17 =	sadd.s32 s3, s30  }
0x11: {  	[tilespmem:s15+$0x1020 ss:$0x81] =	vst.msk $0xffff, v0;
	s13 =	sshll.u32 s31, $0x12;
	s12 =	sadd.s32 s12, s17;
	s16 =	sshrl.u32 s16, $0x3  }
0x12: {  	[tilespmem:s15+$0x0 ss:$0x81] =	vst.msk $0xffff, v1;
	s13 =	sor.u32 $0x400, s13;
	s12 =	sadd.s32 s16, s12  }
0x13: {  	[hbm4b:s12+s13] =	stream.strided.scatter [tilespmem:s14], [sflag:$0x2], $0x2000, s8, s13, $0x20;
	[tilespmem:$0x8080] =	vst v63  }
.LBB1_5:
0x14: {  	s14 =	sadd.s32 $0x1, s9  }
0x15: {  	s12 =	sadd.s32 $0x1000, s10;
	s16 =	smov.u32 s10;
	p2 =	sgt.s32 s14, $0x31  }
0x16: {  	s16 =	smov.u32 @p2 s12  }
0x17: {  	s14 =	simm.s32 @p2 $0x0;
	p2 =	sgt.s32 s16, $0x3FFF  }
0x18: {  	s16 =	smov.u32 @p2 s2;
	p2 =	sne.s32 s11, s7  }
.Ltmp1:
0x19: {  	p1 =	slt.u32 s11, $0x2;
	(pc) =	sbr.rel @!p2 .LBB1_6-.Ltmp1, $4  }
0x1a: {  	s15 =	simm.s32 @!p1 $0x2  }
0x1b: {  	s13 =	smov.u32 s10;
	p0 =	por !p0, !p0;
	_ =	swait.ge @!p1 [sflag:s15], $0x2000  }
0x1c: {  	s12 =	smov.u32 s9;
	[sflag:s15] =	ssyncset.done @!p1 $0x0;
	s9 =	smov.u32 s14  }
0x1d: {  	s11 =	sadd.s32 $0x1, s11;
	[sflag:s15] =	ssyncadd.s32 @!p1 $0xFFFFE000;
	s10 =	smov.u32 s16  }
.LBB1_1:
0x1e: {  	p1 =	sge.u32 s11, s5  }
0x1f: {  	s14 =	sand.u32 @!p1 $0x1FFFFFF, s9  }
0x20: {  	s15 =	smulhi.u32 @!p1 $0x4924925, s14;
	_ =	sdelay $0x1  }
0x21: {  	s15 =	smul.u32 @!p1 $0x38, s15  }
0x22: {  	s16 =	sxor.u32 @!p1 $0xFFFFFFFF, s11;
	s17 =	smul.u32 @!p1 $0x380, s10  }
0x23: {  	s31 =	sadd.s32 $0xFFFFFFFF, s11;
	s16 =	sshll.u32 @!p1 s16, $0xD;
	s14 =	ssub.s32 @!p1 s14, s15  }
0x24: {  	s15 =	sand.u32 @!p1 $0x2000, s16;
	s16 =	sadd.s32 @!p1 s6, s17;
	s14 =	sshll.u32 @!p1 s14, $0x4  }
0x25: {  	s17 =	simm.s32 @!p1 $0x1C00;
	s14 =	sadd.s32 @!p1 s14, s16;
	s16 =	simm.s32 @!p1 $0x40  }
0x26: {  	[tilespmem:s15], [sflag:$0x1] =	stream.strided.gather @!p1 [hbm4b:s14+s16], $0x2000, s17, s16, $0x38;
	[tilespmem:$0x8080] =	vst v63  }
0x27: {  	p1 =	sge.u32 s31, s5  }
.Ltmp2:
0x28: {  	_ = 	snop;
	(pc) =	sbr.rel @p1 .LBB1_5-.Ltmp2, $1  }
0x29: {  	_ =	sdelay $0x3  }
0x2a: {  	s14 =	simm.s32 $0x1  }
0x2b: {  	_ =	swait.ge [sflag:s4], $0x2000;
	s14 =	simm.s32 @!p0 $0x0  }
0x2c: {  	[sflag:s4] =	ssyncset.done $0x0;
	s15 =	sshll.u32 s14, $0xD  }
0x2d: {  	[sflag:s4] =	ssyncadd.s32 $0xFFFFE000;
	s18 =	sor.u32 $0x20, s15  }
0x2e: {  	s14 =	smul.u32 $0x8100, s14;
	v3 =	vld [tilespmem:s18+$0x10]  }
0x2f: {  	s30 =	sand.u32 $0x1, s11;
	v2 =	vld [tilespmem:s18+$0xFFFFFFF0]  }
0x30: {  	s15 =	smul.u32 $0x8100, s30;
	s14 =	sshrl.u32 s14, $0x2;
	v0 =	vld [tilespmem:s18+$0x0]  }
0x31: {  	v1 =	vld [tilespmem:s18+$0xFFFFFFE0];
	s16 =	sor.u32 $0x4000, s14  }
0x32: {  	s31 =	sshrl.u32 s15, $0x2;
	s15 =	sadd.s32 $0x0, s16  }
0x33: {  	s17 =	simm.s32 $0x4;
	s18 =	sadd.s32 $0x40, s18;
	s14 =	sor.u32 $0x4000, s31;
	[tilespmem:s15+$0x1830 ss:$0x81] =	vst.msk $0xffff, v3  }
.LBB1_3:
0x34: {  	v3 =	vld [tilespmem:s18+$0x10];
	p1 =	sne.s32 s17, $0x1FC;
	[tilespmem:s15+$0x810 ss:$0x81] =	vst.msk $0xffff, v2;
	s19 =	smov.u32 s17;
	s17 =	sadd.s32 $0x4, s17  }
.Ltmp3:
0x35: {  	v2 =	vld [tilespmem:s18+$0xFFFFFFF0];
	[tilespmem:s15+$0x1020 ss:$0x81] =	vst.msk $0xffff, v0;
	(pc) =	sbr.rel @p1 .LBB1_3-.Ltmp3, $4  }
0x36: {  	v0 =	vld [tilespmem:s18+$0x0];
	[tilespmem:s15+$0x0 ss:$0x81] =	vst.msk $0xffff, v1  }
0x37: {  	s15 =	sshra.s32 s19, $0x2;
	v1 =	vld [tilespmem:s18+$0xFFFFFFE0]  }
0x38: {  	s15 =	sadd.s32 s15, s16  }
0x39: {  	s18 =	sadd.s32 $0x40, s18;
	[tilespmem:s15+$0x1830 ss:$0x81] =	vst.msk $0xffff, v3  }
.Ltmp4:
0x3a: {  	_ = 	snop;
	(pc) =	sbr.rel .LBB1_4-.Ltmp4, $1  }
0x3b: {  	_ =	sdelay $0x3  }
.LBB1_6:
0x3c: {  	_ =	sfence.sel $0x180000  }
0x3d: {  	s2 =	simm.s32 $0x1;
	[bflag:$0x0] =	sbarrier.arrive $0xFFFF  }
0x3e: {  	s31 =	simm.s32 $0x2;
	[sflag:s2] =	ssyncpa.u1 $0x1  }
0x3f: {  	[sflag:s31] =	ssyncpa.u1 $0x1  }
0x40: {  	p0 =	sne.s32 s0, $0x0;
	_ =	strace $0x9000004A  }
0x41: {  	s0 =	sadd.s32 @!p0 $0x100000, s1;
	[bflag:$0x2] =	sbarrier.arrive $0xFFFF  }
0x42: {  	[sflag:s0] =	ssyncadd.tile.s32 @!p0 $0x1;
	_ =	shalt  }
.Lfunc_end1:
_tile_overlayer_lowered:
.L_overlay_start_2:
0x43: {  	(tag) =	ssettag $0x2  }
0x44: {  	s0 =	rddreg [dreg:$0x0];
	s2 =	stileid.u32  }
0x45: {  	s1 =	rddreg [dreg:$0x1];
	p0 =	sne.s32 s2, $0x0  }
0x46: {  	s3 =	rddreg [dreg:$0x2];
	[bflag:$0x3] =	sbarrier.arrive $0xFFFF;
	s2 =	simm.s32 @!p0 $0x1C01  }
0x47: {  	[timem:s3], [sflag:s2] =	dma.local @!p0 [hbm:s0], s1  }
0x48: {  	s0 =	simm.s32 @!p0 $0x1  }
0x49: {  	_ =	swait.ge @!p0 [sflag:s0], s1  }
0x4a: {  	s1 =	ssub.s32 @!p0 $0x0, s1;
	[sflag:s0] =	ssyncset.done @!p0 $0x0  }
0x4b: {  	[sflag:s0] =	ssyncadd.s32 @!p0 s1  }
0x4c: {  	[bflag:$0x3] =	sbarrier.arrive $0xFFFF  }
0x4d: {  	_ =	shalt  }

</sc_bundles>
